<compile_context>
chip_gen: v7x
topology: tpu7x:2x2x1
jax: 0.10.2.dev20260603
libtpu: 0.0.44.dev20260713+nightly
codegen_flags: <defaults>
</compile_context>

<pallas_src>
import numpy as np
import jax
import jax.numpy as jnp
from jax import lax
from jax.experimental import pallas as pl
from jax.experimental.pallas import tpu as pltpu
from jax.experimental.pallas import tpu_sc as plsc

_TILE = 2000
_MP = 2048
_NP = 20480
_CLS_OFF = 64.0
_T2 = np.float32((2.5 * np.log(3.0)) ** 2)
_T2_BITS = int(np.float32(_T2).view(np.int32))
_ROW_MASK = 2047
_SC_ROWS = _NP // 32


def _sweep_body(p_ref, g_ref, rowmin_ref, key_ref, wtile_ref, colkey, wtile):
    t = pl.program_id(1)
    nt = pl.num_programs(1)

    @pl.when(t == 0)
    def _reset():
        colkey[...] = jnp.full_like(colkey, jnp.inf)
        wtile[...] = jnp.zeros_like(wtile)

    pv = p_ref[0, 0]
    gv = g_ref[0]
    czv = pv[:, 0:1] * _CLS_OFF
    cxv = pv[:, 1:2]
    cyv = pv[:, 2:3]
    tzv = gv[0:1]
    txv = gv[1:2]
    tyv = gv[2:3]

    dx = cxv - txv
    dy = cyv - tyv
    dz = czv - tzv
    d2 = dx * dx + dy * dy
    rowmin_ref[0, 0] = jnp.min(d2, axis=1, keepdims=True)

    d2c = d2 + dz * dz
    lidx = lax.broadcasted_iota(jnp.int32, (_TILE, _MP), 0)
    key = lax.bitcast_convert_type(
        (lax.bitcast_convert_type(d2c, jnp.int32) & jnp.int32(~_ROW_MASK))
        | lidx, jnp.float32)
    kmin = jnp.min(key, axis=0, keepdims=True)
    better = kmin < colkey[...]
    wtile[...] = jnp.where(better, t, wtile[...])
    colkey[...] = jnp.where(better, kmin, colkey[...])

    @pl.when(t == nt - 1)
    def _emit():
        key_ref[0] = lax.bitcast_convert_type(colkey[...], jnp.int32)
        wtile_ref[0] = wtile[...]


def _reduce_body(conf_ref, hits_ref, rowmin_ref, out_ref, acc):
    b = pl.program_id(0)
    nb = pl.num_programs(0)

    @pl.when(b == 0)
    def _init():
        acc[...] = jnp.zeros_like(acc)

    confv = conf_ref[0]
    hitv = hits_ref[0]
    rmv = rowmin_ref[0]
    d = jnp.sqrt(rmv + 1e-12)
    sc = 2.0 * jax.nn.sigmoid(-(d / 2.5))
    obj_c = (jnp.sum(jax.nn.softplus(confv))
             - jnp.sum(jnp.where(hitv > 0.0, confv, 0.0)))
    reg_c = jnp.sum(jnp.where(hitv > 0.0, sc, 0.0))

    lane = lax.broadcasted_iota(jnp.int32, (1, 128), 1)
    acc[...] = (acc[...]
                + jnp.where(lane == 0, obj_c, 0.0)
                + jnp.where(lane == 1, reg_c, 0.0))

    @pl.when(b == nb - 1)
    def _emit():
        denom = jnp.asarray(nb * 20000, jnp.float32)
        tot = acc[...]
        out_ref[...] = jnp.where(lane == 0, tot / denom, 1.0 - tot / denom)


def _sc_scatter_body(key_hbm, wtile_hbm, hits_hbm, keybuf, tilebuf, loc):
    wid = lax.axis_index("s") * 2 + lax.axis_index("c")
    lo = wid * _SC_ROWS
    for b in range(4):
        def _zero(i, carry):
            loc[pl.ds(i * 16, 16)] = jnp.zeros((16,), jnp.float32)
            return carry
        lax.fori_loop(0, _SC_ROWS // 16, _zero, 0)
        pltpu.sync_copy(key_hbm.at[b], keybuf)
        pltpu.sync_copy(wtile_hbm.at[b], tilebuf)

        def _scatter(j, carry):
            k = keybuf[pl.ds(j * 16, 16)]
            w = tilebuf[pl.ds(j * 16, 16)]
            n = w * _TILE + (k & _ROW_MASK)
            valid = (k & jnp.int32(~_ROW_MASK)) <= jnp.int32(_T2_BITS)
            inr = valid & (n >= lo) & (n < lo + _SC_ROWS)
            li = jnp.where(inr, n - lo, 0)
            plsc.store_scatter(loc, [li], jnp.ones((16,), jnp.float32),
                               mask=inr)
            return carry
        lax.fori_loop(0, _MP // 16, _scatter, 0)
        pltpu.sync_copy(loc, hits_hbm.at[b, pl.ds(lo, _SC_ROWS)])


def _make_sc_scatter():
    return pl.kernel(
        _sc_scatter_body,
        mesh=plsc.VectorSubcoreMesh(core_axis_name="c", subcore_axis_name="s"),
        out_type=jax.ShapeDtypeStruct((4, _NP), jnp.float32),
        scratch_types=[
            pltpu.VMEM((_MP,), jnp.int32),
            pltpu.VMEM((_MP,), jnp.int32),
            pltpu.VMEM((_SC_ROWS,), jnp.float32),
        ],
        compiler_params=pltpu.CompilerParams(needs_layout_passes=False),
    )


def kernel(pred, gt):
    B, N, _ = pred.shape
    M = gt.shape[1]
    T = N // _TILE

    pv = pred.reshape(B, T, _TILE, 4)
    pad = _MP - M
    gscaled = jnp.stack(
        [gt[:, :, 0] * _CLS_OFF, gt[:, :, 1], gt[:, :, 2]], axis=1)
    gv = jnp.concatenate(
        [gscaled, jnp.full((B, 3, pad), 1e6, jnp.float32)], axis=2)

    rowmin, colkey, wtile = pl.pallas_call(
        _sweep_body,
        grid=(B, T),
        in_specs=[pl.BlockSpec((1, 1, _TILE, 4), lambda b, t: (b, t, 0, 0)),
                  pl.BlockSpec((1, 3, _MP), lambda b, t: (b, 0, 0))],
        out_specs=[pl.BlockSpec((1, 1, _TILE, 1), lambda b, t: (b, t, 0, 0)),
                   pl.BlockSpec((1, 1, _MP), lambda b, t: (b, 0, 0)),
                   pl.BlockSpec((1, 1, _MP), lambda b, t: (b, 0, 0))],
        out_shape=[jax.ShapeDtypeStruct((B, T, _TILE, 1), jnp.float32),
                   jax.ShapeDtypeStruct((B, 1, _MP), jnp.int32),
                   jax.ShapeDtypeStruct((B, 1, _MP), jnp.int32)],
        scratch_shapes=[
            pltpu.VMEM((1, _MP), jnp.float32),
            pltpu.VMEM((1, _MP), jnp.int32),
        ],
    )(pv, gv)

    hits = _make_sc_scatter()(colkey.reshape(B, _MP), wtile.reshape(B, _MP))

    padn = _NP - N
    conf_p = jnp.concatenate(
        [pred[:, :, 3], jnp.full((B, padn), -1e30, jnp.float32)], axis=1
    ).reshape(B, 160, 128)
    rowmin_p = jnp.concatenate(
        [rowmin.reshape(B, N), jnp.full((B, padn), 1e30, jnp.float32)], axis=1
    ).reshape(B, 160, 128)
    hits_p = hits.reshape(B, 160, 128)

    red_spec = pl.BlockSpec((1, 160, 128), lambda b: (b, 0, 0))
    out = pl.pallas_call(
        _reduce_body,
        grid=(B,),
        in_specs=[red_spec, red_spec, red_spec],
        out_specs=pl.BlockSpec((1, 128), lambda b: (0, 0)),
        out_shape=jax.ShapeDtypeStruct((1, 128), jnp.float32),
        scratch_shapes=[pltpu.VMEM((1, 128), jnp.float32)],
    )(conf_p, hits_p, rowmin_p)
    return out[0, 0], out[0, 1]

# --- scband reference (transcript-rebuilt; emitter-appended) ---
"""Pipeline reference for scband-dot-detection-loss-2310692405464 (READ-ONLY COPY).

The authoritative reference and input builder live on the scoring server;
editing this copy changes nothing except your own understanding.
"""

import jax, jax.numpy as jnp
import numpy as np

CORRECT_THRESHOLD = 0.5


def radial_score(centers, targets, radius, sigmoid=True):
    # pairwise euclidean distance [N_pred, M_tgt]
    d2 = jnp.sum((centers[:, None, :] - targets[None, :, :]) ** 2, axis=-1)
    d = jnp.sqrt(d2 + 1e-12)
    s = d / radius
    if sigmoid:
        return 2.0 * jax.nn.sigmoid(-s)
    return jnp.clip(1.0 - s, 0.0, 1.0)


def _bce_with_logits(x, y):
    # numerically-stable BCEWithLogitsLoss (mean reduction)
    return jnp.mean(y * jax.nn.softplus(-x) + (1.0 - y) * jax.nn.softplus(x))


def _per_item(input_b, target_b):
    target_classes = target_b[:, 0]
    targets = target_b[:, 1:3]
    classes = input_b[:, 0]
    centers = input_b[:, 1:3]
    confs = input_b[:, 3]

    scores = radial_score(centers, targets, 2.5, sigmoid=True)  # [N, M]
    correct_class = classes[:, None] == target_classes[None, :]  # [N, M]
    valid = (scores >= CORRECT_THRESHOLD) & correct_class

    # greedy unique matching (detached, as in torch: matches are .detach()ed)
    sg = jax.lax.stop_gradient(scores)
    masked = jnp.where(valid, sg, -jnp.inf)
    best_pred = jnp.argmax(masked, axis=0)          # best pred per target [M]
    best_score = jnp.max(masked, axis=0)            # [M]
    tgt_has = jnp.isfinite(best_score)
    hits = jnp.zeros(scores.shape[0], dtype=jnp.float32).at[best_pred].max(tgt_has.astype(jnp.float32))
    correct = hits > 0.0                             # [N] preds that got matched

    # reg[correct] = scores[correct].max(1)[0]  (grad flows through scores here)
    reg = jnp.where(correct, jnp.max(scores, axis=1), 0.0)

    obj = _bce_with_logits(confs, correct.astype(jnp.float32))
    regl = jnp.mean(1.0 - reg)
    return obj, regl


def reference(pred, gt):
    B = pred.shape[0]
    obj_loss = jnp.float32(0.0)
    reg_loss = jnp.float32(0.0)
    for b in range(B):
        o, r = _per_item(pred[b], gt[b])
        obj_loss = obj_loss + o
        reg_loss = reg_loss + r
    obj_loss = obj_loss / B
    reg_loss = reg_loss / B
    return (obj_loss, reg_loss)


def setup_inputs(seed: int = 0) -> dict:
    key = jax.random.key(seed)
    k1, k2 = jax.random.split(key)
    pred = jax.random.uniform(k1, (4, 20000, 4), dtype=jnp.float32)
    gt = jax.random.uniform(k2, (4, 2000, 3), dtype=jnp.float32)
    # class ids in {0..4}
    pred = pred.at[:, :, 0].set(jnp.floor(pred[:, :, 0] * 5.0))
    gt = gt.at[:, :, 0].set(jnp.floor(gt[:, :, 0] * 5.0))
    # spread centers over a 64x64 field so matching is non-degenerate
    pred = pred.at[:, :, 1:3].set(pred[:, :, 1:3] * 64.0)
    gt = gt.at[:, :, 1:3].set(gt[:, :, 1:3] * 64.0)
    # conf column as logits
    pred = pred.at[:, :, 3].set((pred[:, :, 3] - 0.5) * 4.0)
    return {"pred": pred, "gt": gt}

if __name__ == "__main__":
    import jax
    _d = setup_inputs()
    print(jax.jit(kernel)(*tuple(_d.values())))

</pallas_src>

<mosaic_0001>
#map = affine_map<(d0, d1) -> (0, 0)>
module attributes {stable_mosaic.version = 14 : i64} {
  func.func @_sc_scatter_body(%arg0: i32, %arg1: i32, %arg2: memref<4x2048xi32, #tpu.memory_space<hbm>>, %arg3: memref<4x2048xi32, #tpu.memory_space<hbm>>, %arg4: memref<4x20480xf32, #tpu.memory_space<hbm>>, %arg5: memref<2048xi32, #tpu.memory_space<vmem>>, %arg6: memref<2048xi32, #tpu.memory_space<vmem>>, %arg7: memref<640xf32, #tpu.memory_space<vmem>>) attributes {dimension_semantics = [#tpu.dimension_semantics<core_parallel>, #tpu.dimension_semantics<subcore_parallel>], iteration_bounds = array<i64: 2, 16>, scalar_prefetch = 0 : i64, scratch_operands = 3 : i64, tpu.core_type = #tpu.core_type<sc_vector_subcore>, window_params = [{transform_indices = #map}, {transform_indices = #map}, {transform_indices = #map}]} {
    %mul3A = arith.constant 2 : i32
    %mul3A_0 = arith.muli %arg1, %mul3A : i32
    %add3A = arith.addi %mul3A_0, %arg0 : i32
    %mul3A_1 = arith.constant 640 : i32
    %mul3A_2 = arith.muli %add3A, %mul3A_1 : i32
    %scan3A = arith.constant 0 : i32
    %scan3A_3 = arith.constant 0 : i32
    %scan3A_4 = arith.constant 40 : i32
    %scan3A_5 = arith.addi %scan3A_3, %scan3A_4 : i32
    %scan3A_6 = arith.constant 1 : i32
    scf.for %scan3A_61 = %scan3A_3 to %scan3A_5 step %scan3A_6  : i32 {
      %broadcast_in_dim3A = arith.constant 0.000000e+00 : f32
      %broadcast_in_dim3A_62 = vector.broadcast %broadcast_in_dim3A : f32 to vector<16xf32>
      %mul3A_63 = arith.constant 16 : i32
      %mul3A_64 = arith.muli %scan3A_61, %mul3A_63 : i32
      %swap3A = arith.index_cast %mul3A_64 : i32 to index
      %swap3A_65 = tpu.vector_load %arg7[%swap3A] {strides = array<i32>} : memref<640xf32, #tpu.memory_space<vmem>>, vector<16xf32>,
      tpu.vector_store %arg7[%swap3A], %broadcast_in_dim3A_62 {strides = array<i32>} : memref<640xf32, #tpu.memory_space<vmem>>, vector<16xf32>,
    }
    %scan3A_7 = arith.constant 40 : i32
    %run_scoped3A = arith.constant 0 : i32
    "tpu.region"() ({
      %run_scoped3A_61 = tpu.sem_alloc : memref<!tpu.dma_semaphore, #tpu.memory_space<semaphore_mem>>
      %dma_start3A = arith.constant 0 : i32
      %dma_start3A_62 = tpu.memref_slice %arg2[%run_scoped3A, %dma_start3A] : memref<4x2048xi32, #tpu.memory_space<hbm>> -> memref<1x2048xi32, #tpu.memory_space<hbm>>
      %dma_start3A_63 = tpu.memref_squeeze %dma_start3A_62 : memref<1x2048xi32, #tpu.memory_space<hbm>> -> memref<2048xi32, #tpu.memory_space<hbm>>
      %dma_start3A_64 = arith.constant 0 : i32
      %dma_start3A_65 = tpu.memref_slice %arg2[%run_scoped3A, %dma_start3A_64] : memref<4x2048xi32, #tpu.memory_space<hbm>> -> memref<1x2048xi32, #tpu.memory_space<hbm>>
      %dma_start3A_66 = tpu.memref_squeeze %dma_start3A_65 : memref<1x2048xi32, #tpu.memory_space<hbm>> -> memref<2048xi32, #tpu.memory_space<hbm>>
      tpu.enqueue_dma source(%dma_start3A_66 : memref<2048xi32, #tpu.memory_space<hbm>>) target(%arg5 : memref<2048xi32, #tpu.memory_space<vmem>>) target_semaphore(%run_scoped3A_61 : memref<!tpu.dma_semaphore, #tpu.memory_space<semaphore_mem>>)
      %dma_wait3A = arith.constant 0 : i32
      %dma_wait3A_67 = tpu.memref_slice %arg2[%run_scoped3A, %dma_wait3A] : memref<4x2048xi32, #tpu.memory_space<hbm>> -> memref<1x2048xi32, #tpu.memory_space<hbm>>
      %dma_wait3A_68 = tpu.memref_squeeze %dma_wait3A_67 : memref<1x2048xi32, #tpu.memory_space<hbm>> -> memref<2048xi32, #tpu.memory_space<hbm>>
      %dma_wait3A_69 = arith.constant 0 : i32
      %dma_wait3A_70 = tpu.memref_slice %arg2[%run_scoped3A, %dma_wait3A_69] : memref<4x2048xi32, #tpu.memory_space<hbm>> -> memref<1x2048xi32, #tpu.memory_space<hbm>>
      %dma_wait3A_71 = tpu.memref_squeeze %dma_wait3A_70 : memref<1x2048xi32, #tpu.memory_space<hbm>> -> memref<2048xi32, #tpu.memory_space<hbm>>
      tpu.wait_dma2 semaphore(%run_scoped3A_61 : memref<!tpu.dma_semaphore, #tpu.memory_space<semaphore_mem>>) src(%dma_wait3A_71 : memref<2048xi32, #tpu.memory_space<hbm>>) dst(%arg5 : memref<2048xi32, #tpu.memory_space<vmem>>)
      tpu.yield
    }) : () -> ()
    %run_scoped3A_8 = arith.constant 0 : i32
    "tpu.region"() ({
      %run_scoped3A_61 = tpu.sem_alloc : memref<!tpu.dma_semaphore, #tpu.memory_space<semaphore_mem>>
      %dma_start3A = arith.constant 0 : i32
      %dma_start3A_62 = tpu.memref_slice %arg3[%run_scoped3A_8, %dma_start3A] : memref<4x2048xi32, #tpu.memory_space<hbm>> -> memref<1x2048xi32, #tpu.memory_space<hbm>>
      %dma_start3A_63 = tpu.memref_squeeze %dma_start3A_62 : memref<1x2048xi32, #tpu.memory_space<hbm>> -> memref<2048xi32, #tpu.memory_space<hbm>>
      %dma_start3A_64 = arith.constant 0 : i32
      %dma_start3A_65 = tpu.memref_slice %arg3[%run_scoped3A_8, %dma_start3A_64] : memref<4x2048xi32, #tpu.memory_space<hbm>> -> memref<1x2048xi32, #tpu.memory_space<hbm>>
      %dma_start3A_66 = tpu.memref_squeeze %dma_start3A_65 : memref<1x2048xi32, #tpu.memory_space<hbm>> -> memref<2048xi32, #tpu.memory_space<hbm>>
      tpu.enqueue_dma source(%dma_start3A_66 : memref<2048xi32, #tpu.memory_space<hbm>>) target(%arg6 : memref<2048xi32, #tpu.memory_space<vmem>>) target_semaphore(%run_scoped3A_61 : memref<!tpu.dma_semaphore, #tpu.memory_space<semaphore_mem>>)
      %dma_wait3A = arith.constant 0 : i32
      %dma_wait3A_67 = tpu.memref_slice %arg3[%run_scoped3A_8, %dma_wait3A] : memref<4x2048xi32, #tpu.memory_space<hbm>> -> memref<1x2048xi32, #tpu.memory_space<hbm>>
      %dma_wait3A_68 = tpu.memref_squeeze %dma_wait3A_67 : memref<1x2048xi32, #tpu.memory_space<hbm>> -> memref<2048xi32, #tpu.memory_space<hbm>>
      %dma_wait3A_69 = arith.constant 0 : i32
      %dma_wait3A_70 = tpu.memref_slice %arg3[%run_scoped3A_8, %dma_wait3A_69] : memref<4x2048xi32, #tpu.memory_space<hbm>> -> memref<1x2048xi32, #tpu.memory_space<hbm>>
      %dma_wait3A_71 = tpu.memref_squeeze %dma_wait3A_70 : memref<1x2048xi32, #tpu.memory_space<hbm>> -> memref<2048xi32, #tpu.memory_space<hbm>>
      tpu.wait_dma2 semaphore(%run_scoped3A_61 : memref<!tpu.dma_semaphore, #tpu.memory_space<semaphore_mem>>) src(%dma_wait3A_71 : memref<2048xi32, #tpu.memory_space<hbm>>) dst(%arg6 : memref<2048xi32, #tpu.memory_space<vmem>>)
      tpu.yield
    }) : () -> ()
    %scan3A_9 = arith.constant 0 : i32
    %scan3A_10 = arith.constant 0 : i32
    %scan3A_11 = arith.constant 128 : i32
    %scan3A_12 = arith.addi %scan3A_10, %scan3A_11 : i32
    %scan3A_13 = arith.constant 1 : i32
    scf.for %scan3A_61 = %scan3A_10 to %scan3A_12 step %scan3A_13  : i32 {
      %mul3A_62 = arith.constant 16 : i32
      %mul3A_63 = arith.muli %scan3A_61, %mul3A_62 : i32
      %get3A = arith.index_cast %mul3A_63 : i32 to index
      %get3A_64 = tpu.vector_load %arg5[%get3A] {strides = array<i32>} : memref<2048xi32, #tpu.memory_space<vmem>>, vector<16xi32>,
      %mul3A_65 = arith.constant 16 : i32
      %mul3A_66 = arith.muli %scan3A_61, %mul3A_65 : i32
      %get3A_67 = arith.index_cast %mul3A_66 : i32 to index
      %get3A_68 = tpu.vector_load %arg6[%get3A_67] {strides = array<i32>} : memref<2048xi32, #tpu.memory_space<vmem>>, vector<16xi32>,
      %mul3A_69 = arith.constant 2000 : i32
      %mul3A_70 = vector.broadcast %mul3A_69 : i32 to vector<16xi32>
      %mul3A_71 = arith.muli %get3A_68, %mul3A_70 : vector<16xi32>
      %and3A = arith.constant 2047 : i32
      %and3A_72 = vector.broadcast %and3A : i32 to vector<16xi32>
      %and3A_73 = arith.andi %get3A_64, %and3A_72 : vector<16xi32>
      %add3A_74 = arith.addi %mul3A_71, %and3A_73 : vector<16xi32>
      %and3A_75 = arith.constant -2048 : i32
      %and3A_76 = vector.broadcast %and3A_75 : i32 to vector<16xi32>
      %and3A_77 = arith.andi %get3A_64, %and3A_76 : vector<16xi32>
      %le3A = arith.constant 1089561545 : i32
      %le3A_78 = vector.broadcast %le3A : i32 to vector<16xi32>
      %le3A_79 = arith.cmpi sle, %and3A_77, %le3A_78 : vector<16xi32>
      %ge3A = vector.broadcast %mul3A_2 : i32 to vector<16xi32>
      %ge3A_80 = arith.cmpi sge, %add3A_74, %ge3A : vector<16xi32>
      %and3A_81 = arith.andi %le3A_79, %ge3A_80 : vector<16xi1>
      %add3A_82 = arith.constant 640 : i32
      %add3A_83 = arith.addi %mul3A_2, %add3A_82 : i32
      %lt3A = vector.broadcast %add3A_83 : i32 to vector<16xi32>
      %lt3A_84 = arith.cmpi slt, %add3A_74, %lt3A : vector<16xi32>
      %and3A_85 = arith.andi %and3A_81, %lt3A_84 : vector<16xi1>
      %sub3A = vector.broadcast %mul3A_2 : i32 to vector<16xi32>
      %sub3A_86 = arith.subi %add3A_74, %sub3A : vector<16xi32>
      %jit3A = arith.constant 0 : i32
      %broadcast_in_dim3A = vector.broadcast %jit3A : i32 to vector<16xi32>
      %select_n3A = arith.select %and3A_85, %sub3A_86, %broadcast_in_dim3A : vector<16xi1>, vector<16xi32>
      %broadcast_in_dim3A_87 = arith.constant 1.000000e+00 : f32
      %broadcast_in_dim3A_88 = vector.broadcast %broadcast_in_dim3A_87 : f32 to vector<16xf32>
      tpu.vector_store_idx %arg7[%select_n3A], %broadcast_in_dim3A_88 masked %and3A_85 : memref<640xf32, #tpu.memory_space<vmem>>[vector<16xi32>], vector<16xf32>, vector<16xi1>
    }
    %scan3A_14 = arith.constant 128 : i32
    %run_scoped3A_15 = arith.constant 0 : i32
    "tpu.region"() ({
      %run_scoped3A_61 = tpu.sem_alloc : memref<!tpu.dma_semaphore, #tpu.memory_space<semaphore_mem>>
      %dma_start3A = tpu.memref_slice %arg4[%run_scoped3A_15, %mul3A_2] : memref<4x20480xf32, #tpu.memory_space<hbm>> -> memref<1x640xf32, #tpu.memory_space<hbm>>
      %dma_start3A_62 = tpu.memref_squeeze %dma_start3A : memref<1x640xf32, #tpu.memory_space<hbm>> -> memref<640xf32, #tpu.memory_space<hbm>>
      %dma_start3A_63 = tpu.memref_slice %arg4[%run_scoped3A_15, %mul3A_2] : memref<4x20480xf32, #tpu.memory_space<hbm>> -> memref<1x640xf32, #tpu.memory_space<hbm>>
      %dma_start3A_64 = tpu.memref_squeeze %dma_start3A_63 : memref<1x640xf32, #tpu.memory_space<hbm>> -> memref<640xf32, #tpu.memory_space<hbm>>
      tpu.enqueue_dma source(%arg7 : memref<640xf32, #tpu.memory_space<vmem>>) target(%dma_start3A_64 : memref<640xf32, #tpu.memory_space<hbm>>) target_semaphore(%run_scoped3A_61 : memref<!tpu.dma_semaphore, #tpu.memory_space<semaphore_mem>>)
      %dma_wait3A = tpu.memref_slice %arg4[%run_scoped3A_15, %mul3A_2] : memref<4x20480xf32, #tpu.memory_space<hbm>> -> memref<1x640xf32, #tpu.memory_space<hbm>>
      %dma_wait3A_65 = tpu.memref_squeeze %dma_wait3A : memref<1x640xf32, #tpu.memory_space<hbm>> -> memref<640xf32, #tpu.memory_space<hbm>>
      %dma_wait3A_66 = tpu.memref_slice %arg4[%run_scoped3A_15, %mul3A_2] : memref<4x20480xf32, #tpu.memory_space<hbm>> -> memref<1x640xf32, #tpu.memory_space<hbm>>
      %dma_wait3A_67 = tpu.memref_squeeze %dma_wait3A_66 : memref<1x640xf32, #tpu.memory_space<hbm>> -> memref<640xf32, #tpu.memory_space<hbm>>
      tpu.wait_dma2 semaphore(%run_scoped3A_61 : memref<!tpu.dma_semaphore, #tpu.memory_space<semaphore_mem>>) src(%arg7 : memref<640xf32, #tpu.memory_space<vmem>>) dst(%dma_wait3A_67 : memref<640xf32, #tpu.memory_space<hbm>>)
      tpu.yield
    }) : () -> ()
    %scan3A_16 = arith.constant 0 : i32
    %scan3A_17 = arith.constant 0 : i32
    %scan3A_18 = arith.constant 40 : i32
    %scan3A_19 = arith.addi %scan3A_17, %scan3A_18 : i32
    %scan3A_20 = arith.constant 1 : i32
    scf.for %scan3A_61 = %scan3A_17 to %scan3A_19 step %scan3A_20  : i32 {
      %broadcast_in_dim3A = arith.constant 0.000000e+00 : f32
      %broadcast_in_dim3A_62 = vector.broadcast %broadcast_in_dim3A : f32 to vector<16xf32>
      %mul3A_63 = arith.constant 16 : i32
      %mul3A_64 = arith.muli %scan3A_61, %mul3A_63 : i32
      %swap3A = arith.index_cast %mul3A_64 : i32 to index
      %swap3A_65 = tpu.vector_load %arg7[%swap3A] {strides = array<i32>} : memref<640xf32, #tpu.memory_space<vmem>>, vector<16xf32>,
      tpu.vector_store %arg7[%swap3A], %broadcast_in_dim3A_62 {strides = array<i32>} : memref<640xf32, #tpu.memory_space<vmem>>, vector<16xf32>,
    }
    %scan3A_21 = arith.constant 40 : i32
    %run_scoped3A_22 = arith.constant 1 : i32
    "tpu.region"() ({
      %run_scoped3A_61 = tpu.sem_alloc : memref<!tpu.dma_semaphore, #tpu.memory_space<semaphore_mem>>
      %dma_start3A = arith.constant 0 : i32
      %dma_start3A_62 = tpu.memref_slice %arg2[%run_scoped3A_22, %dma_start3A] : memref<4x2048xi32, #tpu.memory_space<hbm>> -> memref<1x2048xi32, #tpu.memory_space<hbm>>
      %dma_start3A_63 = tpu.memref_squeeze %dma_start3A_62 : memref<1x2048xi32, #tpu.memory_space<hbm>> -> memref<2048xi32, #tpu.memory_space<hbm>>
      %dma_start3A_64 = arith.constant 0 : i32
      %dma_start3A_65 = tpu.memref_slice %arg2[%run_scoped3A_22, %dma_start3A_64] : memref<4x2048xi32, #tpu.memory_space<hbm>> -> memref<1x2048xi32, #tpu.memory_space<hbm>>
      %dma_start3A_66 = tpu.memref_squeeze %dma_start3A_65 : memref<1x2048xi32, #tpu.memory_space<hbm>> -> memref<2048xi32, #tpu.memory_space<hbm>>
      tpu.enqueue_dma source(%dma_start3A_66 : memref<2048xi32, #tpu.memory_space<hbm>>) target(%arg5 : memref<2048xi32, #tpu.memory_space<vmem>>) target_semaphore(%run_scoped3A_61 : memref<!tpu.dma_semaphore, #tpu.memory_space<semaphore_mem>>)
      %dma_wait3A = arith.constant 0 : i32
      %dma_wait3A_67 = tpu.memref_slice %arg2[%run_scoped3A_22, %dma_wait3A] : memref<4x2048xi32, #tpu.memory_space<hbm>> -> memref<1x2048xi32, #tpu.memory_space<hbm>>
      %dma_wait3A_68 = tpu.memref_squeeze %dma_wait3A_67 : memref<1x2048xi32, #tpu.memory_space<hbm>> -> memref<2048xi32, #tpu.memory_space<hbm>>
      %dma_wait3A_69 = arith.constant 0 : i32
      %dma_wait3A_70 = tpu.memref_slice %arg2[%run_scoped3A_22, %dma_wait3A_69] : memref<4x2048xi32, #tpu.memory_space<hbm>> -> memref<1x2048xi32, #tpu.memory_space<hbm>>
      %dma_wait3A_71 = tpu.memref_squeeze %dma_wait3A_70 : memref<1x2048xi32, #tpu.memory_space<hbm>> -> memref<2048xi32, #tpu.memory_space<hbm>>
      tpu.wait_dma2 semaphore(%run_scoped3A_61 : memref<!tpu.dma_semaphore, #tpu.memory_space<semaphore_mem>>) src(%dma_wait3A_71 : memref<2048xi32, #tpu.memory_space<hbm>>) dst(%arg5 : memref<2048xi32, #tpu.memory_space<vmem>>)
      tpu.yield
    }) : () -> ()
    %run_scoped3A_23 = arith.constant 1 : i32
    "tpu.region"() ({
      %run_scoped3A_61 = tpu.sem_alloc : memref<!tpu.dma_semaphore, #tpu.memory_space<semaphore_mem>>
      %dma_start3A = arith.constant 0 : i32
      %dma_start3A_62 = tpu.memref_slice %arg3[%run_scoped3A_23, %dma_start3A] : memref<4x2048xi32, #tpu.memory_space<hbm>> -> memref<1x2048xi32, #tpu.memory_space<hbm>>
      %dma_start3A_63 = tpu.memref_squeeze %dma_start3A_62 : memref<1x2048xi32, #tpu.memory_space<hbm>> -> memref<2048xi32, #tpu.memory_space<hbm>>
      %dma_start3A_64 = arith.constant 0 : i32
      %dma_start3A_65 = tpu.memref_slice %arg3[%run_scoped3A_23, %dma_start3A_64] : memref<4x2048xi32, #tpu.memory_space<hbm>> -> memref<1x2048xi32, #tpu.memory_space<hbm>>
      %dma_start3A_66 = tpu.memref_squeeze %dma_start3A_65 : memref<1x2048xi32, #tpu.memory_space<hbm>> -> memref<2048xi32, #tpu.memory_space<hbm>>
      tpu.enqueue_dma source(%dma_start3A_66 : memref<2048xi32, #tpu.memory_space<hbm>>) target(%arg6 : memref<2048xi32, #tpu.memory_space<vmem>>) target_semaphore(%run_scoped3A_61 : memref<!tpu.dma_semaphore, #tpu.memory_space<semaphore_mem>>)
      %dma_wait3A = arith.constant 0 : i32
      %dma_wait3A_67 = tpu.memref_slice %arg3[%run_scoped3A_23, %dma_wait3A] : memref<4x2048xi32, #tpu.memory_space<hbm>> -> memref<1x2048xi32, #tpu.memory_space<hbm>>
      %dma_wait3A_68 = tpu.memref_squeeze %dma_wait3A_67 : memref<1x2048xi32, #tpu.memory_space<hbm>> -> memref<2048xi32, #tpu.memory_space<hbm>>
      %dma_wait3A_69 = arith.constant 0 : i32
      %dma_wait3A_70 = tpu.memref_slice %arg3[%run_scoped3A_23, %dma_wait3A_69] : memref<4x2048xi32, #tpu.memory_space<hbm>> -> memref<1x2048xi32, #tpu.memory_space<hbm>>
      %dma_wait3A_71 = tpu.memref_squeeze %dma_wait3A_70 : memref<1x2048xi32, #tpu.memory_space<hbm>> -> memref<2048xi32, #tpu.memory_space<hbm>>
      tpu.wait_dma2 semaphore(%run_scoped3A_61 : memref<!tpu.dma_semaphore, #tpu.memory_space<semaphore_mem>>) src(%dma_wait3A_71 : memref<2048xi32, #tpu.memory_space<hbm>>) dst(%arg6 : memref<2048xi32, #tpu.memory_space<vmem>>)
      tpu.yield
    }) : () -> ()
    %scan3A_24 = arith.constant 0 : i32
    %scan3A_25 = arith.constant 0 : i32
    %scan3A_26 = arith.constant 128 : i32
    %scan3A_27 = arith.addi %scan3A_25, %scan3A_26 : i32
    %scan3A_28 = arith.constant 1 : i32
    scf.for %scan3A_61 = %scan3A_25 to %scan3A_27 step %scan3A_28  : i32 {
      %mul3A_62 = arith.constant 16 : i32
      %mul3A_63 = arith.muli %scan3A_61, %mul3A_62 : i32
      %get3A = arith.index_cast %mul3A_63 : i32 to index
      %get3A_64 = tpu.vector_load %arg5[%get3A] {strides = array<i32>} : memref<2048xi32, #tpu.memory_space<vmem>>, vector<16xi32>,
      %mul3A_65 = arith.constant 16 : i32
      %mul3A_66 = arith.muli %scan3A_61, %mul3A_65 : i32
      %get3A_67 = arith.index_cast %mul3A_66 : i32 to index
      %get3A_68 = tpu.vector_load %arg6[%get3A_67] {strides = array<i32>} : memref<2048xi32, #tpu.memory_space<vmem>>, vector<16xi32>,
      %mul3A_69 = arith.constant 2000 : i32
      %mul3A_70 = vector.broadcast %mul3A_69 : i32 to vector<16xi32>
      %mul3A_71 = arith.muli %get3A_68, %mul3A_70 : vector<16xi32>
      %and3A = arith.constant 2047 : i32
      %and3A_72 = vector.broadcast %and3A : i32 to vector<16xi32>
      %and3A_73 = arith.andi %get3A_64, %and3A_72 : vector<16xi32>
      %add3A_74 = arith.addi %mul3A_71, %and3A_73 : vector<16xi32>
      %and3A_75 = arith.constant -2048 : i32
      %and3A_76 = vector.broadcast %and3A_75 : i32 to vector<16xi32>
      %and3A_77 = arith.andi %get3A_64, %and3A_76 : vector<16xi32>
      %le3A = arith.constant 1089561545 : i32
      %le3A_78 = vector.broadcast %le3A : i32 to vector<16xi32>
      %le3A_79 = arith.cmpi sle, %and3A_77, %le3A_78 : vector<16xi32>
      %ge3A = vector.broadcast %mul3A_2 : i32 to vector<16xi32>
      %ge3A_80 = arith.cmpi sge, %add3A_74, %ge3A : vector<16xi32>
      %and3A_81 = arith.andi %le3A_79, %ge3A_80 : vector<16xi1>
      %add3A_82 = arith.constant 640 : i32
      %add3A_83 = arith.addi %mul3A_2, %add3A_82 : i32
      %lt3A = vector.broadcast %add3A_83 : i32 to vector<16xi32>
      %lt3A_84 = arith.cmpi slt, %add3A_74, %lt3A : vector<16xi32>
      %and3A_85 = arith.andi %and3A_81, %lt3A_84 : vector<16xi1>
      %sub3A = vector.broadcast %mul3A_2 : i32 to vector<16xi32>
      %sub3A_86 = arith.subi %add3A_74, %sub3A : vector<16xi32>
      %jit3A = arith.constant 0 : i32
      %broadcast_in_dim3A = vector.broadcast %jit3A : i32 to vector<16xi32>
      %select_n3A = arith.select %and3A_85, %sub3A_86, %broadcast_in_dim3A : vector<16xi1>, vector<16xi32>
      %broadcast_in_dim3A_87 = arith.constant 1.000000e+00 : f32
      %broadcast_in_dim3A_88 = vector.broadcast %broadcast_in_dim3A_87 : f32 to vector<16xf32>
      tpu.vector_store_idx %arg7[%select_n3A], %broadcast_in_dim3A_88 masked %and3A_85 : memref<640xf32, #tpu.memory_space<vmem>>[vector<16xi32>], vector<16xf32>, vector<16xi1>
    }
    %scan3A_29 = arith.constant 128 : i32
    %run_scoped3A_30 = arith.constant 1 : i32
    "tpu.region"() ({
      %run_scoped3A_61 = tpu.sem_alloc : memref<!tpu.dma_semaphore, #tpu.memory_space<semaphore_mem>>
      %dma_start3A = tpu.memref_slice %arg4[%run_scoped3A_30, %mul3A_2] : memref<4x20480xf32, #tpu.memory_space<hbm>> -> memref<1x640xf32, #tpu.memory_space<hbm>>
      %dma_start3A_62 = tpu.memref_squeeze %dma_start3A : memref<1x640xf32, #tpu.memory_space<hbm>> -> memref<640xf32, #tpu.memory_space<hbm>>
      %dma_start3A_63 = tpu.memref_slice %arg4[%run_scoped3A_30, %mul3A_2] : memref<4x20480xf32, #tpu.memory_space<hbm>> -> memref<1x640xf32, #tpu.memory_space<hbm>>
      %dma_start3A_64 = tpu.memref_squeeze %dma_start3A_63 : memref<1x640xf32, #tpu.memory_space<hbm>> -> memref<640xf32, #tpu.memory_space<hbm>>
      tpu.enqueue_dma source(%arg7 : memref<640xf32, #tpu.memory_space<vmem>>) target(%dma_start3A_64 : memref<640xf32, #tpu.memory_space<hbm>>) target_semaphore(%run_scoped3A_61 : memref<!tpu.dma_semaphore, #tpu.memory_space<semaphore_mem>>)
      %dma_wait3A = tpu.memref_slice %arg4[%run_scoped3A_30, %mul3A_2] : memref<4x20480xf32, #tpu.memory_space<hbm>> -> memref<1x640xf32, #tpu.memory_space<hbm>>
      %dma_wait3A_65 = tpu.memref_squeeze %dma_wait3A : memref<1x640xf32, #tpu.memory_space<hbm>> -> memref<640xf32, #tpu.memory_space<hbm>>
      %dma_wait3A_66 = tpu.memref_slice %arg4[%run_scoped3A_30, %mul3A_2] : memref<4x20480xf32, #tpu.memory_space<hbm>> -> memref<1x640xf32, #tpu.memory_space<hbm>>
      %dma_wait3A_67 = tpu.memref_squeeze %dma_wait3A_66 : memref<1x640xf32, #tpu.memory_space<hbm>> -> memref<640xf32, #tpu.memory_space<hbm>>
      tpu.wait_dma2 semaphore(%run_scoped3A_61 : memref<!tpu.dma_semaphore, #tpu.memory_space<semaphore_mem>>) src(%arg7 : memref<640xf32, #tpu.memory_space<vmem>>) dst(%dma_wait3A_67 : memref<640xf32, #tpu.memory_space<hbm>>)
      tpu.yield
    }) : () -> ()
    %scan3A_31 = arith.constant 0 : i32
    %scan3A_32 = arith.constant 0 : i32
    %scan3A_33 = arith.constant 40 : i32
    %scan3A_34 = arith.addi %scan3A_32, %scan3A_33 : i32
    %scan3A_35 = arith.constant 1 : i32
    scf.for %scan3A_61 = %scan3A_32 to %scan3A_34 step %scan3A_35  : i32 {
      %broadcast_in_dim3A = arith.constant 0.000000e+00 : f32
      %broadcast_in_dim3A_62 = vector.broadcast %broadcast_in_dim3A : f32 to vector<16xf32>
      %mul3A_63 = arith.constant 16 : i32
      %mul3A_64 = arith.muli %scan3A_61, %mul3A_63 : i32
      %swap3A = arith.index_cast %mul3A_64 : i32 to index
      %swap3A_65 = tpu.vector_load %arg7[%swap3A] {strides = array<i32>} : memref<640xf32, #tpu.memory_space<vmem>>, vector<16xf32>,
      tpu.vector_store %arg7[%swap3A], %broadcast_in_dim3A_62 {strides = array<i32>} : memref<640xf32, #tpu.memory_space<vmem>>, vector<16xf32>,
    }
    %scan3A_36 = arith.constant 40 : i32
    %run_scoped3A_37 = arith.constant 2 : i32
    "tpu.region"() ({
      %run_scoped3A_61 = tpu.sem_alloc : memref<!tpu.dma_semaphore, #tpu.memory_space<semaphore_mem>>
      %dma_start3A = arith.constant 0 : i32
      %dma_start3A_62 = tpu.memref_slice %arg2[%run_scoped3A_37, %dma_start3A] : memref<4x2048xi32, #tpu.memory_space<hbm>> -> memref<1x2048xi32, #tpu.memory_space<hbm>>
      %dma_start3A_63 = tpu.memref_squeeze %dma_start3A_62 : memref<1x2048xi32, #tpu.memory_space<hbm>> -> memref<2048xi32, #tpu.memory_space<hbm>>
      %dma_start3A_64 = arith.constant 0 : i32
      %dma_start3A_65 = tpu.memref_slice %arg2[%run_scoped3A_37, %dma_start3A_64] : memref<4x2048xi32, #tpu.memory_space<hbm>> -> memref<1x2048xi32, #tpu.memory_space<hbm>>
      %dma_start3A_66 = tpu.memref_squeeze %dma_start3A_65 : memref<1x2048xi32, #tpu.memory_space<hbm>> -> memref<2048xi32, #tpu.memory_space<hbm>>
      tpu.enqueue_dma source(%dma_start3A_66 : memref<2048xi32, #tpu.memory_space<hbm>>) target(%arg5 : memref<2048xi32, #tpu.memory_space<vmem>>) target_semaphore(%run_scoped3A_61 : memref<!tpu.dma_semaphore, #tpu.memory_space<semaphore_mem>>)
      %dma_wait3A = arith.constant 0 : i32
      %dma_wait3A_67 = tpu.memref_slice %arg2[%run_scoped3A_37, %dma_wait3A] : memref<4x2048xi32, #tpu.memory_space<hbm>> -> memref<1x2048xi32, #tpu.memory_space<hbm>>
      %dma_wait3A_68 = tpu.memref_squeeze %dma_wait3A_67 : memref<1x2048xi32, #tpu.memory_space<hbm>> -> memref<2048xi32, #tpu.memory_space<hbm>>
      %dma_wait3A_69 = arith.constant 0 : i32
      %dma_wait3A_70 = tpu.memref_slice %arg2[%run_scoped3A_37, %dma_wait3A_69] : memref<4x2048xi32, #tpu.memory_space<hbm>> -> memref<1x2048xi32, #tpu.memory_space<hbm>>
      %dma_wait3A_71 = tpu.memref_squeeze %dma_wait3A_70 : memref<1x2048xi32, #tpu.memory_space<hbm>> -> memref<2048xi32, #tpu.memory_space<hbm>>
      tpu.wait_dma2 semaphore(%run_scoped3A_61 : memref<!tpu.dma_semaphore, #tpu.memory_space<semaphore_mem>>) src(%dma_wait3A_71 : memref<2048xi32, #tpu.memory_space<hbm>>) dst(%arg5 : memref<2048xi32, #tpu.memory_space<vmem>>)
      tpu.yield
    }) : () -> ()
    %run_scoped3A_38 = arith.constant 2 : i32
    "tpu.region"() ({
      %run_scoped3A_61 = tpu.sem_alloc : memref<!tpu.dma_semaphore, #tpu.memory_space<semaphore_mem>>
      %dma_start3A = arith.constant 0 : i32
      %dma_start3A_62 = tpu.memref_slice %arg3[%run_scoped3A_38, %dma_start3A] : memref<4x2048xi32, #tpu.memory_space<hbm>> -> memref<1x2048xi32, #tpu.memory_space<hbm>>
      %dma_start3A_63 = tpu.memref_squeeze %dma_start3A_62 : memref<1x2048xi32, #tpu.memory_space<hbm>> -> memref<2048xi32, #tpu.memory_space<hbm>>
      %dma_start3A_64 = arith.constant 0 : i32
      %dma_start3A_65 = tpu.memref_slice %arg3[%run_scoped3A_38, %dma_start3A_64] : memref<4x2048xi32, #tpu.memory_space<hbm>> -> memref<1x2048xi32, #tpu.memory_space<hbm>>
      %dma_start3A_66 = tpu.memref_squeeze %dma_start3A_65 : memref<1x2048xi32, #tpu.memory_space<hbm>> -> memref<2048xi32, #tpu.memory_space<hbm>>
      tpu.enqueue_dma source(%dma_start3A_66 : memref<2048xi32, #tpu.memory_space<hbm>>) target(%arg6 : memref<2048xi32, #tpu.memory_space<vmem>>) target_semaphore(%run_scoped3A_61 : memref<!tpu.dma_semaphore, #tpu.memory_space<semaphore_mem>>)
      %dma_wait3A = arith.constant 0 : i32
      %dma_wait3A_67 = tpu.memref_slice %arg3[%run_scoped3A_38, %dma_wait3A] : memref<4x2048xi32, #tpu.memory_space<hbm>> -> memref<1x2048xi32, #tpu.memory_space<hbm>>
      %dma_wait3A_68 = tpu.memref_squeeze %dma_wait3A_67 : memref<1x2048xi32, #tpu.memory_space<hbm>> -> memref<2048xi32, #tpu.memory_space<hbm>>
      %dma_wait3A_69 = arith.constant 0 : i32
      %dma_wait3A_70 = tpu.memref_slice %arg3[%run_scoped3A_38, %dma_wait3A_69] : memref<4x2048xi32, #tpu.memory_space<hbm>> -> memref<1x2048xi32, #tpu.memory_space<hbm>>
      %dma_wait3A_71 = tpu.memref_squeeze %dma_wait3A_70 : memref<1x2048xi32, #tpu.memory_space<hbm>> -> memref<2048xi32, #tpu.memory_space<hbm>>
      tpu.wait_dma2 semaphore(%run_scoped3A_61 : memref<!tpu.dma_semaphore, #tpu.memory_space<semaphore_mem>>) src(%dma_wait3A_71 : memref<2048xi32, #tpu.memory_space<hbm>>) dst(%arg6 : memref<2048xi32, #tpu.memory_space<vmem>>)
      tpu.yield
    }) : () -> ()
    %scan3A_39 = arith.constant 0 : i32
    %scan3A_40 = arith.constant 0 : i32
    %scan3A_41 = arith.constant 128 : i32
    %scan3A_42 = arith.addi %scan3A_40, %scan3A_41 : i32
    %scan3A_43 = arith.constant 1 : i32
    scf.for %scan3A_61 = %scan3A_40 to %scan3A_42 step %scan3A_43  : i32 {
      %mul3A_62 = arith.constant 16 : i32
      %mul3A_63 = arith.muli %scan3A_61, %mul3A_62 : i32
      %get3A = arith.index_cast %mul3A_63 : i32 to index
      %get3A_64 = tpu.vector_load %arg5[%get3A] {strides = array<i32>} : memref<2048xi32, #tpu.memory_space<vmem>>, vector<16xi32>,
      %mul3A_65 = arith.constant 16 : i32
      %mul3A_66 = arith.muli %scan3A_61, %mul3A_65 : i32
      %get3A_67 = arith.index_cast %mul3A_66 : i32 to index
      %get3A_68 = tpu.vector_load %arg6[%get3A_67] {strides = array<i32>} : memref<2048xi32, #tpu.memory_space<vmem>>, vector<16xi32>,
      %mul3A_69 = arith.constant 2000 : i32
      %mul3A_70 = vector.broadcast %mul3A_69 : i32 to vector<16xi32>
      %mul3A_71 = arith.muli %get3A_68, %mul3A_70 : vector<16xi32>
      %and3A = arith.constant 2047 : i32
      %and3A_72 = vector.broadcast %and3A : i32 to vector<16xi32>
      %and3A_73 = arith.andi %get3A_64, %and3A_72 : vector<16xi32>
      %add3A_74 = arith.addi %mul3A_71, %and3A_73 : vector<16xi32>
      %and3A_75 = arith.constant -2048 : i32
      %and3A_76 = vector.broadcast %and3A_75 : i32 to vector<16xi32>
      %and3A_77 = arith.andi %get3A_64, %and3A_76 : vector<16xi32>
      %le3A = arith.constant 1089561545 : i32
      %le3A_78 = vector.broadcast %le3A : i32 to vector<16xi32>
      %le3A_79 = arith.cmpi sle, %and3A_77, %le3A_78 : vector<16xi32>
      %ge3A = vector.broadcast %mul3A_2 : i32 to vector<16xi32>
      %ge3A_80 = arith.cmpi sge, %add3A_74, %ge3A : vector<16xi32>
      %and3A_81 = arith.andi %le3A_79, %ge3A_80 : vector<16xi1>
      %add3A_82 = arith.constant 640 : i32
      %add3A_83 = arith.addi %mul3A_2, %add3A_82 : i32
      %lt3A = vector.broadcast %add3A_83 : i32 to vector<16xi32>
      %lt3A_84 = arith.cmpi slt, %add3A_74, %lt3A : vector<16xi32>
      %and3A_85 = arith.andi %and3A_81, %lt3A_84 : vector<16xi1>
      %sub3A = vector.broadcast %mul3A_2 : i32 to vector<16xi32>
      %sub3A_86 = arith.subi %add3A_74, %sub3A : vector<16xi32>
      %jit3A = arith.constant 0 : i32
      %broadcast_in_dim3A = vector.broadcast %jit3A : i32 to vector<16xi32>
      %select_n3A = arith.select %and3A_85, %sub3A_86, %broadcast_in_dim3A : vector<16xi1>, vector<16xi32>
      %broadcast_in_dim3A_87 = arith.constant 1.000000e+00 : f32
      %broadcast_in_dim3A_88 = vector.broadcast %broadcast_in_dim3A_87 : f32 to vector<16xf32>
      tpu.vector_store_idx %arg7[%select_n3A], %broadcast_in_dim3A_88 masked %and3A_85 : memref<640xf32, #tpu.memory_space<vmem>>[vector<16xi32>], vector<16xf32>, vector<16xi1>
    }
    %scan3A_44 = arith.constant 128 : i32
    %run_scoped3A_45 = arith.constant 2 : i32
    "tpu.region"() ({
      %run_scoped3A_61 = tpu.sem_alloc : memref<!tpu.dma_semaphore, #tpu.memory_space<semaphore_mem>>
      %dma_start3A = tpu.memref_slice %arg4[%run_scoped3A_45, %mul3A_2] : memref<4x20480xf32, #tpu.memory_space<hbm>> -> memref<1x640xf32, #tpu.memory_space<hbm>>
      %dma_start3A_62 = tpu.memref_squeeze %dma_start3A : memref<1x640xf32, #tpu.memory_space<hbm>> -> memref<640xf32, #tpu.memory_space<hbm>>
      %dma_start3A_63 = tpu.memref_slice %arg4[%run_scoped3A_45, %mul3A_2] : memref<4x20480xf32, #tpu.memory_space<hbm>> -> memref<1x640xf32, #tpu.memory_space<hbm>>
      %dma_start3A_64 = tpu.memref_squeeze %dma_start3A_63 : memref<1x640xf32, #tpu.memory_space<hbm>> -> memref<640xf32, #tpu.memory_space<hbm>>
      tpu.enqueue_dma source(%arg7 : memref<640xf32, #tpu.memory_space<vmem>>) target(%dma_start3A_64 : memref<640xf32, #tpu.memory_space<hbm>>) target_semaphore(%run_scoped3A_61 : memref<!tpu.dma_semaphore, #tpu.memory_space<semaphore_mem>>)
      %dma_wait3A = tpu.memref_slice %arg4[%run_scoped3A_45, %mul3A_2] : memref<4x20480xf32, #tpu.memory_space<hbm>> -> memref<1x640xf32, #tpu.memory_space<hbm>>
      %dma_wait3A_65 = tpu.memref_squeeze %dma_wait3A : memref<1x640xf32, #tpu.memory_space<hbm>> -> memref<640xf32, #tpu.memory_space<hbm>>
      %dma_wait3A_66 = tpu.memref_slice %arg4[%run_scoped3A_45, %mul3A_2] : memref<4x20480xf32, #tpu.memory_space<hbm>> -> memref<1x640xf32, #tpu.memory_space<hbm>>
      %dma_wait3A_67 = tpu.memref_squeeze %dma_wait3A_66 : memref<1x640xf32, #tpu.memory_space<hbm>> -> memref<640xf32, #tpu.memory_space<hbm>>
      tpu.wait_dma2 semaphore(%run_scoped3A_61 : memref<!tpu.dma_semaphore, #tpu.memory_space<semaphore_mem>>) src(%arg7 : memref<640xf32, #tpu.memory_space<vmem>>) dst(%dma_wait3A_67 : memref<640xf32, #tpu.memory_space<hbm>>)
      tpu.yield
    }) : () -> ()
    %scan3A_46 = arith.constant 0 : i32
    %scan3A_47 = arith.constant 0 : i32
    %scan3A_48 = arith.constant 40 : i32
    %scan3A_49 = arith.addi %scan3A_47, %scan3A_48 : i32
    %scan3A_50 = arith.constant 1 : i32
    scf.for %scan3A_61 = %scan3A_47 to %scan3A_49 step %scan3A_50  : i32 {
      %broadcast_in_dim3A = arith.constant 0.000000e+00 : f32
      %broadcast_in_dim3A_62 = vector.broadcast %broadcast_in_dim3A : f32 to vector<16xf32>
      %mul3A_63 = arith.constant 16 : i32
      %mul3A_64 = arith.muli %scan3A_61, %mul3A_63 : i32
      %swap3A = arith.index_cast %mul3A_64 : i32 to index
      %swap3A_65 = tpu.vector_load %arg7[%swap3A] {strides = array<i32>} : memref<640xf32, #tpu.memory_space<vmem>>, vector<16xf32>,
      tpu.vector_store %arg7[%swap3A], %broadcast_in_dim3A_62 {strides = array<i32>} : memref<640xf32, #tpu.memory_space<vmem>>, vector<16xf32>,
    }
    %scan3A_51 = arith.constant 40 : i32
    %run_scoped3A_52 = arith.constant 3 : i32
    "tpu.region"() ({
      %run_scoped3A_61 = tpu.sem_alloc : memref<!tpu.dma_semaphore, #tpu.memory_space<semaphore_mem>>
      %dma_start3A = arith.constant 0 : i32
      %dma_start3A_62 = tpu.memref_slice %arg2[%run_scoped3A_52, %dma_start3A] : memref<4x2048xi32, #tpu.memory_space<hbm>> -> memref<1x2048xi32, #tpu.memory_space<hbm>>
      %dma_start3A_63 = tpu.memref_squeeze %dma_start3A_62 : memref<1x2048xi32, #tpu.memory_space<hbm>> -> memref<2048xi32, #tpu.memory_space<hbm>>
      %dma_start3A_64 = arith.constant 0 : i32
      %dma_start3A_65 = tpu.memref_slice %arg2[%run_scoped3A_52, %dma_start3A_64] : memref<4x2048xi32, #tpu.memory_space<hbm>> -> memref<1x2048xi32, #tpu.memory_space<hbm>>
      %dma_start3A_66 = tpu.memref_squeeze %dma_start3A_65 : memref<1x2048xi32, #tpu.memory_space<hbm>> -> memref<2048xi32, #tpu.memory_space<hbm>>
      tpu.enqueue_dma source(%dma_start3A_66 : memref<2048xi32, #tpu.memory_space<hbm>>) target(%arg5 : memref<2048xi32, #tpu.memory_space<vmem>>) target_semaphore(%run_scoped3A_61 : memref<!tpu.dma_semaphore, #tpu.memory_space<semaphore_mem>>)
      %dma_wait3A = arith.constant 0 : i32
      %dma_wait3A_67 = tpu.memref_slice %arg2[%run_scoped3A_52, %dma_wait3A] : memref<4x2048xi32, #tpu.memory_space<hbm>> -> memref<1x2048xi32, #tpu.memory_space<hbm>>
      %dma_wait3A_68 = tpu.memref_squeeze %dma_wait3A_67 : memref<1x2048xi32, #tpu.memory_space<hbm>> -> memref<2048xi32, #tpu.memory_space<hbm>>
      %dma_wait3A_69 = arith.constant 0 : i32
      %dma_wait3A_70 = tpu.memref_slice %arg2[%run_scoped3A_52, %dma_wait3A_69] : memref<4x2048xi32, #tpu.memory_space<hbm>> -> memref<1x2048xi32, #tpu.memory_space<hbm>>
      %dma_wait3A_71 = tpu.memref_squeeze %dma_wait3A_70 : memref<1x2048xi32, #tpu.memory_space<hbm>> -> memref<2048xi32, #tpu.memory_space<hbm>>
      tpu.wait_dma2 semaphore(%run_scoped3A_61 : memref<!tpu.dma_semaphore, #tpu.memory_space<semaphore_mem>>) src(%dma_wait3A_71 : memref<2048xi32, #tpu.memory_space<hbm>>) dst(%arg5 : memref<2048xi32, #tpu.memory_space<vmem>>)
      tpu.yield
    }) : () -> ()
    %run_scoped3A_53 = arith.constant 3 : i32
    "tpu.region"() ({
      %run_scoped3A_61 = tpu.sem_alloc : memref<!tpu.dma_semaphore, #tpu.memory_space<semaphore_mem>>
      %dma_start3A = arith.constant 0 : i32
      %dma_start3A_62 = tpu.memref_slice %arg3[%run_scoped3A_53, %dma_start3A] : memref<4x2048xi32, #tpu.memory_space<hbm>> -> memref<1x2048xi32, #tpu.memory_space<hbm>>
      %dma_start3A_63 = tpu.memref_squeeze %dma_start3A_62 : memref<1x2048xi32, #tpu.memory_space<hbm>> -> memref<2048xi32, #tpu.memory_space<hbm>>
      %dma_start3A_64 = arith.constant 0 : i32
      %dma_start3A_65 = tpu.memref_slice %arg3[%run_scoped3A_53, %dma_start3A_64] : memref<4x2048xi32, #tpu.memory_space<hbm>> -> memref<1x2048xi32, #tpu.memory_space<hbm>>
      %dma_start3A_66 = tpu.memref_squeeze %dma_start3A_65 : memref<1x2048xi32, #tpu.memory_space<hbm>> -> memref<2048xi32, #tpu.memory_space<hbm>>
      tpu.enqueue_dma source(%dma_start3A_66 : memref<2048xi32, #tpu.memory_space<hbm>>) target(%arg6 : memref<2048xi32, #tpu.memory_space<vmem>>) target_semaphore(%run_scoped3A_61 : memref<!tpu.dma_semaphore, #tpu.memory_space<semaphore_mem>>)
      %dma_wait3A = arith.constant 0 : i32
      %dma_wait3A_67 = tpu.memref_slice %arg3[%run_scoped3A_53, %dma_wait3A] : memref<4x2048xi32, #tpu.memory_space<hbm>> -> memref<1x2048xi32, #tpu.memory_space<hbm>>
      %dma_wait3A_68 = tpu.memref_squeeze %dma_wait3A_67 : memref<1x2048xi32, #tpu.memory_space<hbm>> -> memref<2048xi32, #tpu.memory_space<hbm>>
      %dma_wait3A_69 = arith.constant 0 : i32
      %dma_wait3A_70 = tpu.memref_slice %arg3[%run_scoped3A_53, %dma_wait3A_69] : memref<4x2048xi32, #tpu.memory_space<hbm>> -> memref<1x2048xi32, #tpu.memory_space<hbm>>
      %dma_wait3A_71 = tpu.memref_squeeze %dma_wait3A_70 : memref<1x2048xi32, #tpu.memory_space<hbm>> -> memref<2048xi32, #tpu.memory_space<hbm>>
      tpu.wait_dma2 semaphore(%run_scoped3A_61 : memref<!tpu.dma_semaphore, #tpu.memory_space<semaphore_mem>>) src(%dma_wait3A_71 : memref<2048xi32, #tpu.memory_space<hbm>>) dst(%arg6 : memref<2048xi32, #tpu.memory_space<vmem>>)
      tpu.yield
    }) : () -> ()
    %scan3A_54 = arith.constant 0 : i32
    %scan3A_55 = arith.constant 0 : i32
    %scan3A_56 = arith.constant 128 : i32
    %scan3A_57 = arith.addi %scan3A_55, %scan3A_56 : i32
    %scan3A_58 = arith.constant 1 : i32
    scf.for %scan3A_61 = %scan3A_55 to %scan3A_57 step %scan3A_58  : i32 {
      %mul3A_62 = arith.constant 16 : i32
      %mul3A_63 = arith.muli %scan3A_61, %mul3A_62 : i32
      %get3A = arith.index_cast %mul3A_63 : i32 to index
      %get3A_64 = tpu.vector_load %arg5[%get3A] {strides = array<i32>} : memref<2048xi32, #tpu.memory_space<vmem>>, vector<16xi32>,
      %mul3A_65 = arith.constant 16 : i32
      %mul3A_66 = arith.muli %scan3A_61, %mul3A_65 : i32
      %get3A_67 = arith.index_cast %mul3A_66 : i32 to index
      %get3A_68 = tpu.vector_load %arg6[%get3A_67] {strides = array<i32>} : memref<2048xi32, #tpu.memory_space<vmem>>, vector<16xi32>,
      %mul3A_69 = arith.constant 2000 : i32
      %mul3A_70 = vector.broadcast %mul3A_69 : i32 to vector<16xi32>
      %mul3A_71 = arith.muli %get3A_68, %mul3A_70 : vector<16xi32>
      %and3A = arith.constant 2047 : i32
      %and3A_72 = vector.broadcast %and3A : i32 to vector<16xi32>
      %and3A_73 = arith.andi %get3A_64, %and3A_72 : vector<16xi32>
      %add3A_74 = arith.addi %mul3A_71, %and3A_73 : vector<16xi32>
      %and3A_75 = arith.constant -2048 : i32
      %and3A_76 = vector.broadcast %and3A_75 : i32 to vector<16xi32>
      %and3A_77 = arith.andi %get3A_64, %and3A_76 : vector<16xi32>
      %le3A = arith.constant 1089561545 : i32
      %le3A_78 = vector.broadcast %le3A : i32 to vector<16xi32>
      %le3A_79 = arith.cmpi sle, %and3A_77, %le3A_78 : vector<16xi32>
      %ge3A = vector.broadcast %mul3A_2 : i32 to vector<16xi32>
      %ge3A_80 = arith.cmpi sge, %add3A_74, %ge3A : vector<16xi32>
      %and3A_81 = arith.andi %le3A_79, %ge3A_80 : vector<16xi1>
      %add3A_82 = arith.constant 640 : i32
      %add3A_83 = arith.addi %mul3A_2, %add3A_82 : i32
      %lt3A = vector.broadcast %add3A_83 : i32 to vector<16xi32>
      %lt3A_84 = arith.cmpi slt, %add3A_74, %lt3A : vector<16xi32>
      %and3A_85 = arith.andi %and3A_81, %lt3A_84 : vector<16xi1>
      %sub3A = vector.broadcast %mul3A_2 : i32 to vector<16xi32>
      %sub3A_86 = arith.subi %add3A_74, %sub3A : vector<16xi32>
      %jit3A = arith.constant 0 : i32
      %broadcast_in_dim3A = vector.broadcast %jit3A : i32 to vector<16xi32>
      %select_n3A = arith.select %and3A_85, %sub3A_86, %broadcast_in_dim3A : vector<16xi1>, vector<16xi32>
      %broadcast_in_dim3A_87 = arith.constant 1.000000e+00 : f32
      %broadcast_in_dim3A_88 = vector.broadcast %broadcast_in_dim3A_87 : f32 to vector<16xf32>
      tpu.vector_store_idx %arg7[%select_n3A], %broadcast_in_dim3A_88 masked %and3A_85 : memref<640xf32, #tpu.memory_space<vmem>>[vector<16xi32>], vector<16xf32>, vector<16xi1>
    }
    %scan3A_59 = arith.constant 128 : i32
    %run_scoped3A_60 = arith.constant 3 : i32
    "tpu.region"() ({
      %run_scoped3A_61 = tpu.sem_alloc : memref<!tpu.dma_semaphore, #tpu.memory_space<semaphore_mem>>
      %dma_start3A = tpu.memref_slice %arg4[%run_scoped3A_60, %mul3A_2] : memref<4x20480xf32, #tpu.memory_space<hbm>> -> memref<1x640xf32, #tpu.memory_space<hbm>>
      %dma_start3A_62 = tpu.memref_squeeze %dma_start3A : memref<1x640xf32, #tpu.memory_space<hbm>> -> memref<640xf32, #tpu.memory_space<hbm>>
      %dma_start3A_63 = tpu.memref_slice %arg4[%run_scoped3A_60, %mul3A_2] : memref<4x20480xf32, #tpu.memory_space<hbm>> -> memref<1x640xf32, #tpu.memory_space<hbm>>
      %dma_start3A_64 = tpu.memref_squeeze %dma_start3A_63 : memref<1x640xf32, #tpu.memory_space<hbm>> -> memref<640xf32, #tpu.memory_space<hbm>>
      tpu.enqueue_dma source(%arg7 : memref<640xf32, #tpu.memory_space<vmem>>) target(%dma_start3A_64 : memref<640xf32, #tpu.memory_space<hbm>>) target_semaphore(%run_scoped3A_61 : memref<!tpu.dma_semaphore, #tpu.memory_space<semaphore_mem>>)
      %dma_wait3A = tpu.memref_slice %arg4[%run_scoped3A_60, %mul3A_2] : memref<4x20480xf32, #tpu.memory_space<hbm>> -> memref<1x640xf32, #tpu.memory_space<hbm>>
      %dma_wait3A_65 = tpu.memref_squeeze %dma_wait3A : memref<1x640xf32, #tpu.memory_space<hbm>> -> memref<640xf32, #tpu.memory_space<hbm>>
      %dma_wait3A_66 = tpu.memref_slice %arg4[%run_scoped3A_60, %mul3A_2] : memref<4x20480xf32, #tpu.memory_space<hbm>> -> memref<1x640xf32, #tpu.memory_space<hbm>>
      %dma_wait3A_67 = tpu.memref_squeeze %dma_wait3A_66 : memref<1x640xf32, #tpu.memory_space<hbm>> -> memref<640xf32, #tpu.memory_space<hbm>>
      tpu.wait_dma2 semaphore(%run_scoped3A_61 : memref<!tpu.dma_semaphore, #tpu.memory_space<semaphore_mem>>) src(%arg7 : memref<640xf32, #tpu.memory_space<vmem>>) dst(%dma_wait3A_67 : memref<640xf32, #tpu.memory_space<hbm>>)
      tpu.yield
    }) : () -> ()
    return
  }
}

module attributes {stable_mosaic.version = 14 : i64} {
  func.func @_sweep_body(%arg0: i32, %arg1: i32, %arg2: memref<1x1x2000x4xf32, #tpu.memory_space<vmem>>, %arg3: memref<1x3x2048xf32, #tpu.memory_space<vmem>>, %arg4: memref<1x1x2000x1xf32, #tpu.memory_space<vmem>>, %arg5: memref<1x1x2048xi32, #tpu.memory_space<vmem>>, %arg6: memref<1x1x2048xi32, #tpu.memory_space<vmem>>, %arg7: memref<1x2048xf32, #tpu.memory_space<vmem>>, %arg8: memref<1x2048xi32, #tpu.memory_space<vmem>>) attributes {dimension_semantics = [#tpu.dimension_semantics<arbitrary>, #tpu.dimension_semantics<arbitrary>], iteration_bounds = array<i64: 4, 10>, scalar_prefetch = 0 : i64, scratch_operands = 2 : i64, tpu.core_type = #tpu.core_type<tc>, window_params = [{transform_indices = @transform_0, window_bounds = array<i64: 1, 1, 2000, 4>}, {transform_indices = @transform_1, window_bounds = array<i64: 1, 3, 2048>}, {transform_indices = @transform_2, window_bounds = array<i64: 1, 1, 2000, 1>}, {transform_indices = @transform_3, window_bounds = array<i64: 1, 1, 2048>}, {transform_indices = @transform_4, window_bounds = array<i64: 1, 1, 2048>}]} {
    %eq3A = arith.constant 0 : i32
    %eq3A_0 = arith.cmpi eq, %arg1, %eq3A : i32
    %convert_element_type3A = arith.extui %eq3A_0 : i1 to i32
    %cond3A = arith.constant 0 : i32
    %cond3A_1 = arith.cmpi ne, %convert_element_type3A, %cond3A : i32
    scf.if %cond3A_1 {
      %broadcast_in_dim3A_66 = arith.constant 0x7F800000 : f32
      %broadcast_in_dim3A_67 = vector.broadcast %broadcast_in_dim3A_66 : f32 to vector<1x2048xf32>
      %swap3A_68 = arith.constant 0 : index
      %swap3A_69 = arith.constant 0 : index
      %swap3A_70 = vector.load %arg7[%swap3A_68, %swap3A_69] : memref<1x2048xf32, #tpu.memory_space<vmem>>, vector<1x2048xf32>
      tpu.vector_store %arg7[%swap3A_68, %swap3A_69], %broadcast_in_dim3A_67 {strides = array<i32>} : memref<1x2048xf32, #tpu.memory_space<vmem>>, vector<1x2048xf32>,
      %broadcast_in_dim3A_71 = arith.constant 0 : i32
      %broadcast_in_dim3A_72 = vector.broadcast %broadcast_in_dim3A_71 : i32 to vector<1x2048xi32>
      %swap3A_73 = arith.constant 0 : index
      %swap3A_74 = arith.constant 0 : index
      %swap3A_75 = vector.load %arg8[%swap3A_73, %swap3A_74] : memref<1x2048xi32, #tpu.memory_space<vmem>>, vector<1x2048xi32>
      tpu.vector_store %arg8[%swap3A_73, %swap3A_74], %broadcast_in_dim3A_72 {strides = array<i32>} : memref<1x2048xi32, #tpu.memory_space<vmem>>, vector<1x2048xi32>,
    } else {
    }
    %get3A = arith.constant 0 : index
    %get3A_2 = arith.constant 0 : index
    %get3A_3 = arith.constant 0 : index
    %get3A_4 = arith.constant 0 : index
    %get3A_5 = vector.load %arg2[%get3A, %get3A_2, %get3A_3, %get3A_4] : memref<1x1x2000x4xf32, #tpu.memory_space<vmem>>, vector<1x1x2000x4xf32>
    %get3A_6 = vector.shape_cast %get3A_5 : vector<1x1x2000x4xf32> to vector<2000x4xf32>
    %get3A_7 = arith.constant 0 : index
    %get3A_8 = arith.constant 0 : index
    %get3A_9 = arith.constant 0 : index
    %get3A_10 = vector.load %arg3[%get3A_7, %get3A_8, %get3A_9] : memref<1x3x2048xf32, #tpu.memory_space<vmem>>, vector<1x3x2048xf32>
    %get3A_11 = vector.shape_cast %get3A_10 : vector<1x3x2048xf32> to vector<3x2048xf32>
    %slice3A = vector.extract_strided_slice %get3A_6 {offsets = [0, 0], sizes = [2000, 1], strides = [1, 1]} : vector<2000x4xf32> to vector<2000x1xf32>
    %mul3A = arith.constant 6.400000e+01 : f32
    %mul3A_12 = vector.broadcast %mul3A : f32 to vector<2000x1xf32>
    %mul3A_13 = arith.mulf %slice3A, %mul3A_12 : vector<2000x1xf32>
    %slice3A_14 = vector.extract_strided_slice %get3A_6 {offsets = [0, 1], sizes = [2000, 1], strides = [1, 1]} : vector<2000x4xf32> to vector<2000x1xf32>
    %slice3A_15 = vector.extract_strided_slice %get3A_6 {offsets = [0, 2], sizes = [2000, 1], strides = [1, 1]} : vector<2000x4xf32> to vector<2000x1xf32>
    %slice3A_16 = vector.extract_strided_slice %get3A_11 {offsets = [0, 0], sizes = [1, 2048], strides = [1, 1]} : vector<3x2048xf32> to vector<1x2048xf32>
    %slice3A_17 = vector.extract_strided_slice %get3A_11 {offsets = [1, 0], sizes = [1, 2048], strides = [1, 1]} : vector<3x2048xf32> to vector<1x2048xf32>
    %slice3A_18 = vector.extract_strided_slice %get3A_11 {offsets = [2, 0], sizes = [1, 2048], strides = [1, 1]} : vector<3x2048xf32> to vector<1x2048xf32>
    %sub3A = vector.broadcast %slice3A_14 : vector<2000x1xf32> to vector<2000x2048xf32>
    %sub3A_19 = vector.broadcast %slice3A_17 : vector<1x2048xf32> to vector<2000x2048xf32>
    %sub3A_20 = arith.subf %sub3A, %sub3A_19 : vector<2000x2048xf32>
    %sub3A_21 = vector.broadcast %slice3A_15 : vector<2000x1xf32> to vector<2000x2048xf32>
    %sub3A_22 = vector.broadcast %slice3A_18 : vector<1x2048xf32> to vector<2000x2048xf32>
    %sub3A_23 = arith.subf %sub3A_21, %sub3A_22 : vector<2000x2048xf32>
    %sub3A_24 = vector.broadcast %mul3A_13 : vector<2000x1xf32> to vector<2000x2048xf32>
    %sub3A_25 = vector.broadcast %slice3A_16 : vector<1x2048xf32> to vector<2000x2048xf32>
    %sub3A_26 = arith.subf %sub3A_24, %sub3A_25 : vector<2000x2048xf32>
    %mul3A_27 = arith.mulf %sub3A_20, %sub3A_20 : vector<2000x2048xf32>
    %mul3A_28 = arith.mulf %sub3A_23, %sub3A_23 : vector<2000x2048xf32>
    %add3A = arith.addf %mul3A_27, %mul3A_28 : vector<2000x2048xf32>
    %reduce_min3A = arith.constant dense<0x7F800000> : vector<2000xf32>
    %reduce_min3A_29 = vector.multi_reduction <minimumf>, %add3A, %reduce_min3A [1] : vector<2000x2048xf32> to vector<2000xf32>
    %broadcast_in_dim3A = vector.shape_cast %reduce_min3A_29 : vector<2000xf32> to vector<2000x1xf32>
    %swap3A = arith.constant 0 : index
    %swap3A_30 = arith.constant 0 : index
    %swap3A_31 = arith.constant 0 : index
    %swap3A_32 = arith.constant 0 : index
    %swap3A_33 = vector.load %arg4[%swap3A, %swap3A_30, %swap3A_31, %swap3A_32] : memref<1x1x2000x1xf32, #tpu.memory_space<vmem>>, vector<1x1x2000x1xf32>
    %swap3A_34 = vector.shape_cast %swap3A_33 : vector<1x1x2000x1xf32> to vector<2000x1xf32>
    %swap3A_35 = vector.shape_cast %broadcast_in_dim3A : vector<2000x1xf32> to vector<1x1x2000x1xf32>
    tpu.vector_store %arg4[%swap3A, %swap3A_30, %swap3A_31, %swap3A_32], %swap3A_35 {strides = array<i32>} : memref<1x1x2000x1xf32, #tpu.memory_space<vmem>>, vector<1x1x2000x1xf32>,
    %mul3A_36 = arith.mulf %sub3A_26, %sub3A_26 : vector<2000x2048xf32>
    %add3A_37 = arith.addf %add3A, %mul3A_36 : vector<2000x2048xf32>
    %iota3A = tpu.iota {dimensions = array<i32: 0>} : vector<2000x2048xi32>
    %bitcast_convert_type3A = tpu.bitcast %add3A_37 : vector<2000x2048xf32> -> vector<2000x2048xi32>
    %and3A = arith.constant -2048 : i32
    %and3A_38 = vector.broadcast %and3A : i32 to vector<2000x2048xi32>
    %and3A_39 = arith.andi %bitcast_convert_type3A, %and3A_38 : vector<2000x2048xi32>
    %or3A = arith.ori %and3A_39, %iota3A : vector<2000x2048xi32>
    %bitcast_convert_type3A_40 = tpu.bitcast %or3A : vector<2000x2048xi32> -> vector<2000x2048xf32>
    %reduce_min3A_41 = arith.constant dense<0x7F800000> : vector<2048xf32>
    %reduce_min3A_42 = vector.multi_reduction <minimumf>, %bitcast_convert_type3A_40, %reduce_min3A_41 [0] : vector<2000x2048xf32> to vector<2048xf32>
    %broadcast_in_dim3A_43 = vector.shape_cast %reduce_min3A_42 : vector<2048xf32> to vector<1x2048xf32>
    %get3A_44 = arith.constant 0 : index
    %get3A_45 = arith.constant 0 : index
    %get3A_46 = vector.load %arg7[%get3A_44, %get3A_45] : memref<1x2048xf32, #tpu.memory_space<vmem>>, vector<1x2048xf32>
    %lt3A = arith.cmpf olt, %broadcast_in_dim3A_43, %get3A_46 : vector<1x2048xf32>
    %get3A_47 = arith.constant 0 : index
    %get3A_48 = arith.constant 0 : index
    %get3A_49 = vector.load %arg8[%get3A_47, %get3A_48] : memref<1x2048xi32, #tpu.memory_space<vmem>>, vector<1x2048xi32>
    %broadcast_in_dim3A_50 = vector.broadcast %arg1 : i32 to vector<1x2048xi32>
    %select_n3A = arith.select %lt3A, %broadcast_in_dim3A_50, %get3A_49 : vector<1x2048xi1>, vector<1x2048xi32>
    %swap3A_51 = arith.constant 0 : index
    %swap3A_52 = arith.constant 0 : index
    %swap3A_53 = vector.load %arg8[%swap3A_51, %swap3A_52] : memref<1x2048xi32, #tpu.memory_space<vmem>>, vector<1x2048xi32>
    tpu.vector_store %arg8[%swap3A_51, %swap3A_52], %select_n3A {strides = array<i32>} : memref<1x2048xi32, #tpu.memory_space<vmem>>, vector<1x2048xi32>,
    %get3A_54 = arith.constant 0 : index
    %get3A_55 = arith.constant 0 : index
    %get3A_56 = vector.load %arg7[%get3A_54, %get3A_55] : memref<1x2048xf32, #tpu.memory_space<vmem>>, vector<1x2048xf32>
    %select_n3A_57 = arith.select %lt3A, %broadcast_in_dim3A_43, %get3A_56 : vector<1x2048xi1>, vector<1x2048xf32>
    %swap3A_58 = arith.constant 0 : index
    %swap3A_59 = arith.constant 0 : index
    %swap3A_60 = vector.load %arg7[%swap3A_58, %swap3A_59] : memref<1x2048xf32, #tpu.memory_space<vmem>>, vector<1x2048xf32>
    tpu.vector_store %arg7[%swap3A_58, %swap3A_59], %select_n3A_57 {strides = array<i32>} : memref<1x2048xf32, #tpu.memory_space<vmem>>, vector<1x2048xf32>,
    %eq3A_61 = arith.constant 9 : i32
    %eq3A_62 = arith.cmpi eq, %arg1, %eq3A_61 : i32
    %convert_element_type3A_63 = arith.extui %eq3A_62 : i1 to i32
    %cond3A_64 = arith.constant 0 : i32
    %cond3A_65 = arith.cmpi ne, %convert_element_type3A_63, %cond3A_64 : i32
    scf.if %cond3A_65 {
      %get3A_66 = arith.constant 0 : index
      %get3A_67 = arith.constant 0 : index
      %get3A_68 = vector.load %arg7[%get3A_66, %get3A_67] : memref<1x2048xf32, #tpu.memory_space<vmem>>, vector<1x2048xf32>
      %bitcast_convert_type3A_69 = tpu.bitcast %get3A_68 : vector<1x2048xf32> -> vector<1x2048xi32>
      %swap3A_70 = arith.constant 0 : index
      %swap3A_71 = arith.constant 0 : index
      %swap3A_72 = arith.constant 0 : index
      %swap3A_73 = vector.load %arg5[%swap3A_70, %swap3A_71, %swap3A_72] : memref<1x1x2048xi32, #tpu.memory_space<vmem>>, vector<1x1x2048xi32>
      %swap3A_74 = vector.shape_cast %swap3A_73 : vector<1x1x2048xi32> to vector<1x2048xi32>
      %swap3A_75 = vector.shape_cast %bitcast_convert_type3A_69 : vector<1x2048xi32> to vector<1x1x2048xi32>
      tpu.vector_store %arg5[%swap3A_70, %swap3A_71, %swap3A_72], %swap3A_75 {strides = array<i32>} : memref<1x1x2048xi32, #tpu.memory_space<vmem>>, vector<1x1x2048xi32>,
      %get3A_76 = arith.constant 0 : index
      %get3A_77 = arith.constant 0 : index
      %get3A_78 = vector.load %arg8[%get3A_76, %get3A_77] : memref<1x2048xi32, #tpu.memory_space<vmem>>, vector<1x2048xi32>
      %swap3A_79 = arith.constant 0 : index
      %swap3A_80 = arith.constant 0 : index
      %swap3A_81 = arith.constant 0 : index
      %swap3A_82 = vector.load %arg6[%swap3A_79, %swap3A_80, %swap3A_81] : memref<1x1x2048xi32, #tpu.memory_space<vmem>>, vector<1x1x2048xi32>
      %swap3A_83 = vector.shape_cast %swap3A_82 : vector<1x1x2048xi32> to vector<1x2048xi32>
      %swap3A_84 = vector.shape_cast %get3A_78 : vector<1x2048xi32> to vector<1x1x2048xi32>
      tpu.vector_store %arg6[%swap3A_79, %swap3A_80, %swap3A_81], %swap3A_84 {strides = array<i32>} : memref<1x1x2048xi32, #tpu.memory_space<vmem>>, vector<1x1x2048xi32>,
    } else {
    }
    return
  }
  func.func @transform_0(%arg0: i32, %arg1: i32) -> (i32, i32, i32, i32) {
    %c0_i32 = arith.constant 0 : i32
    %c0_i32_0 = arith.constant 0 : i32
    %c0_i32_1 = arith.constant 0 : i32
    return %arg0, %arg1, %c0_i32, %c0_i32_0 : i32, i32, i32, i32
  }
  func.func @transform_1(%arg0: i32, %arg1: i32) -> (i32, i32, i32) {
    %c0_i32 = arith.constant 0 : i32
    %c0_i32_0 = arith.constant 0 : i32
    %c0_i32_1 = arith.constant 0 : i32
    return %arg0, %c0_i32, %c0_i32_0 : i32, i32, i32
  }
  func.func @transform_2(%arg0: i32, %arg1: i32) -> (i32, i32, i32, i32) {
    %c0_i32 = arith.constant 0 : i32
    %c0_i32_0 = arith.constant 0 : i32
    %c0_i32_1 = arith.constant 0 : i32
    return %arg0, %arg1, %c0_i32, %c0_i32_0 : i32, i32, i32, i32
  }
  func.func @transform_3(%arg0: i32, %arg1: i32) -> (i32, i32, i32) {
    %c0_i32 = arith.constant 0 : i32
    %c0_i32_0 = arith.constant 0 : i32
    %c0_i32_1 = arith.constant 0 : i32
    return %arg0, %c0_i32, %c0_i32_0 : i32, i32, i32
  }
  func.func @transform_4(%arg0: i32, %arg1: i32) -> (i32, i32, i32) {
    %c0_i32 = arith.constant 0 : i32
    %c0_i32_0 = arith.constant 0 : i32
    %c0_i32_1 = arith.constant 0 : i32
    return %arg0, %c0_i32, %c0_i32_0 : i32, i32, i32
  }
}

module attributes {stable_mosaic.version = 14 : i64} {
  func.func @_reduce_body(%arg0: i32, %arg1: memref<1x160x128xf32, #tpu.memory_space<vmem>>, %arg2: memref<1x160x128xf32, #tpu.memory_space<vmem>>, %arg3: memref<1x160x128xf32, #tpu.memory_space<vmem>>, %arg4: memref<1x128xf32, #tpu.memory_space<vmem>>, %arg5: memref<1x128xf32, #tpu.memory_space<vmem>>) attributes {dimension_semantics = [#tpu.dimension_semantics<arbitrary>], iteration_bounds = array<i64: 4>, scalar_prefetch = 0 : i64, scratch_operands = 1 : i64, tpu.core_type = #tpu.core_type<tc>, window_params = [{transform_indices = @transform_0, window_bounds = array<i64: 1, 160, 128>}, {transform_indices = @transform_1, window_bounds = array<i64: 1, 160, 128>}, {transform_indices = @transform_2, window_bounds = array<i64: 1, 160, 128>}, {pipeline_mode = #tpu.pipeline_mode<synchronous>, transform_indices = @transform_3, window_bounds = array<i64: 1, 128>}]} {
    %eq3A = arith.constant 0 : i32
    %eq3A_0 = arith.cmpi eq, %arg0, %eq3A : i32
    %convert_element_type3A = arith.extui %eq3A_0 : i1 to i32
    %cond3A = arith.constant 0 : i32
    %cond3A_1 = arith.cmpi ne, %convert_element_type3A, %cond3A : i32
    scf.if %cond3A_1 {
      %broadcast_in_dim3A_87 = arith.constant 0.000000e+00 : f32
      %broadcast_in_dim3A_88 = vector.broadcast %broadcast_in_dim3A_87 : f32 to vector<1x128xf32>
      %swap3A_89 = arith.constant 0 : index
      %swap3A_90 = arith.constant 0 : index
      %swap3A_91 = vector.load %arg5[%swap3A_89, %swap3A_90] : memref<1x128xf32, #tpu.memory_space<vmem>>, vector<1x128xf32>
      tpu.vector_store %arg5[%swap3A_89, %swap3A_90], %broadcast_in_dim3A_88 {strides = array<i32>} : memref<1x128xf32, #tpu.memory_space<vmem>>, vector<1x128xf32>,
    } else {
    }
    %get3A = arith.constant 0 : index
    %get3A_2 = arith.constant 0 : index
    %get3A_3 = arith.constant 0 : index
    %get3A_4 = vector.load %arg1[%get3A, %get3A_2, %get3A_3] : memref<1x160x128xf32, #tpu.memory_space<vmem>>, vector<1x160x128xf32>
    %get3A_5 = vector.shape_cast %get3A_4 : vector<1x160x128xf32> to vector<160x128xf32>
    %get3A_6 = arith.constant 0 : index
    %get3A_7 = arith.constant 0 : index
    %get3A_8 = arith.constant 0 : index
    %get3A_9 = vector.load %arg2[%get3A_6, %get3A_7, %get3A_8] : memref<1x160x128xf32, #tpu.memory_space<vmem>>, vector<1x160x128xf32>
    %get3A_10 = vector.shape_cast %get3A_9 : vector<1x160x128xf32> to vector<160x128xf32>
    %get3A_11 = arith.constant 0 : index
    %get3A_12 = arith.constant 0 : index
    %get3A_13 = arith.constant 0 : index
    %get3A_14 = vector.load %arg3[%get3A_11, %get3A_12, %get3A_13] : memref<1x160x128xf32, #tpu.memory_space<vmem>>, vector<1x160x128xf32>
    %get3A_15 = vector.shape_cast %get3A_14 : vector<1x160x128xf32> to vector<160x128xf32>
    %add3A = arith.constant 9.99999996E-13 : f32
    %add3A_16 = vector.broadcast %add3A : f32 to vector<160x128xf32>
    %add3A_17 = arith.addf %get3A_15, %add3A_16 : vector<160x128xf32>
    %sqrt3A = math.sqrt %add3A_17 : vector<160x128xf32>
    %div3A = arith.constant 2.500000e+00 : f32
    %div3A_18 = vector.broadcast %div3A : f32 to vector<160x128xf32>
    %div3A_19 = arith.divf %sqrt3A, %div3A_18 : vector<160x128xf32>
    %neg3A = arith.constant 0.000000e+00 : f32
    %neg3A_20 = vector.broadcast %neg3A : f32 to vector<160x128xf32>
    %neg3A_21 = arith.subf %neg3A_20, %div3A_19 : vector<160x128xf32>
    %logistic3A = arith.negf %neg3A_21 : vector<160x128xf32>
    %logistic3A_22 = math.exp %logistic3A : vector<160x128xf32>
    %logistic3A_23 = arith.constant 1.000000e+00 : f32
    %logistic3A_24 = vector.broadcast %logistic3A_23 : f32 to vector<160x128xf32>
    %logistic3A_25 = arith.addf %logistic3A_24, %logistic3A_22 : vector<160x128xf32>
    %logistic3A_26 = arith.divf %logistic3A_24, %logistic3A_25 : vector<160x128xf32>
    %mul3A = arith.constant 2.000000e+00 : f32
    %mul3A_27 = vector.broadcast %mul3A : f32 to vector<160x128xf32>
    %mul3A_28 = arith.mulf %mul3A_27, %logistic3A_26 : vector<160x128xf32>
    %custom_jvp_call3A = arith.constant 0.000000e+00 : f32
    %max3A = vector.broadcast %custom_jvp_call3A : f32 to vector<160x128xf32>
    %max3A_29 = arith.maximumf %get3A_5, %max3A : vector<160x128xf32>
    %sub3A = vector.broadcast %custom_jvp_call3A : f32 to vector<160x128xf32>
    %sub3A_30 = arith.subf %get3A_5, %sub3A : vector<160x128xf32>
    %ne3A = arith.cmpf one, %sub3A_30, %sub3A_30 : vector<160x128xf32>
    %add3A_31 = vector.broadcast %custom_jvp_call3A : f32 to vector<160x128xf32>
    %add3A_32 = arith.addf %get3A_5, %add3A_31 : vector<160x128xf32>
    %abs3A = math.absf %sub3A_30 : vector<160x128xf32>
    %neg3A_33 = arith.constant 0.000000e+00 : f32
    %neg3A_34 = vector.broadcast %neg3A_33 : f32 to vector<160x128xf32>
    %neg3A_35 = arith.subf %neg3A_34, %abs3A : vector<160x128xf32>
    %exp3A = math.exp %neg3A_35 : vector<160x128xf32>
    %log1p3A = math.log1p %exp3A : vector<160x128xf32>
    %add3A_36 = arith.addf %max3A_29, %log1p3A : vector<160x128xf32>
    %select_n3A = arith.select %ne3A, %add3A_32, %add3A_36 : vector<160x128xi1>, vector<160x128xf32>
    %reduce_sum3A = vector.shape_cast %select_n3A : vector<160x128xf32> to vector<1x160x128xf32>
    %reduce_sum3A_37 = arith.constant dense<0.000000e+00> : vector<1xf32>
    %reduce_sum3A_38 = vector.multi_reduction <add>, %reduce_sum3A, %reduce_sum3A_37 [1, 2] : vector<1x160x128xf32> to vector<1xf32>
    %reduce_sum3A_39 = vector.shape_cast %reduce_sum3A_38 : vector<1xf32> to vector<1x1x1xf32>
    %reduce_sum3A_40 = vector.extract %reduce_sum3A_39[0, 0, 0] : f32 from vector<1x1x1xf32>
    %gt3A = arith.constant 0.000000e+00 : f32
    %gt3A_41 = vector.broadcast %gt3A : f32 to vector<160x128xf32>
    %gt3A_42 = arith.cmpf ogt, %get3A_10, %gt3A_41 : vector<160x128xf32>
    %jit3A = arith.constant 0.000000e+00 : f32
    %broadcast_in_dim3A = vector.broadcast %jit3A : f32 to vector<160x128xf32>
    %select_n3A_43 = arith.select %gt3A_42, %get3A_5, %broadcast_in_dim3A : vector<160x128xi1>, vector<160x128xf32>
    %reduce_sum3A_44 = vector.shape_cast %select_n3A_43 : vector<160x128xf32> to vector<1x160x128xf32>
    %reduce_sum3A_45 = arith.constant dense<0.000000e+00> : vector<1xf32>
    %reduce_sum3A_46 = vector.multi_reduction <add>, %reduce_sum3A_44, %reduce_sum3A_45 [1, 2] : vector<1x160x128xf32> to vector<1xf32>
    %reduce_sum3A_47 = vector.shape_cast %reduce_sum3A_46 : vector<1xf32> to vector<1x1x1xf32>
    %reduce_sum3A_48 = vector.extract %reduce_sum3A_47[0, 0, 0] : f32 from vector<1x1x1xf32>
    %sub3A_49 = arith.subf %reduce_sum3A_40, %reduce_sum3A_48 : f32
    %gt3A_50 = arith.constant 0.000000e+00 : f32
    %gt3A_51 = vector.broadcast %gt3A_50 : f32 to vector<160x128xf32>
    %gt3A_52 = arith.cmpf ogt, %get3A_10, %gt3A_51 : vector<160x128xf32>
    %jit3A_53 = arith.constant 0.000000e+00 : f32
    %broadcast_in_dim3A_54 = vector.broadcast %jit3A_53 : f32 to vector<160x128xf32>
    %select_n3A_55 = arith.select %gt3A_52, %mul3A_28, %broadcast_in_dim3A_54 : vector<160x128xi1>, vector<160x128xf32>
    %reduce_sum3A_56 = vector.shape_cast %select_n3A_55 : vector<160x128xf32> to vector<1x160x128xf32>
    %reduce_sum3A_57 = arith.constant dense<0.000000e+00> : vector<1xf32>
    %reduce_sum3A_58 = vector.multi_reduction <add>, %reduce_sum3A_56, %reduce_sum3A_57 [1, 2] : vector<1x160x128xf32> to vector<1xf32>
    %reduce_sum3A_59 = vector.shape_cast %reduce_sum3A_58 : vector<1xf32> to vector<1x1x1xf32>
    %reduce_sum3A_60 = vector.extract %reduce_sum3A_59[0, 0, 0] : f32 from vector<1x1x1xf32>
    %iota3A = tpu.iota {dimensions = array<i32: 1>} : vector<1x128xi32>
    %get3A_61 = arith.constant 0 : index
    %get3A_62 = arith.constant 0 : index
    %get3A_63 = vector.load %arg5[%get3A_61, %get3A_62] : memref<1x128xf32, #tpu.memory_space<vmem>>, vector<1x128xf32>
    %eq3A_64 = arith.constant 0 : i32
    %eq3A_65 = vector.broadcast %eq3A_64 : i32 to vector<1x128xi32>
    %eq3A_66 = arith.cmpi eq, %iota3A, %eq3A_65 : vector<1x128xi32>
    %jit3A_67 = arith.constant 0.000000e+00 : f32
    %broadcast_in_dim3A_68 = vector.broadcast %sub3A_49 : f32 to vector<1x128xf32>
    %broadcast_in_dim3A_69 = vector.broadcast %jit3A_67 : f32 to vector<1x128xf32>
    %select_n3A_70 = arith.select %eq3A_66, %broadcast_in_dim3A_68, %broadcast_in_dim3A_69 : vector<1x128xi1>, vector<1x128xf32>
    %add3A_71 = arith.addf %get3A_63, %select_n3A_70 : vector<1x128xf32>
    %eq3A_72 = arith.constant 1 : i32
    %eq3A_73 = vector.broadcast %eq3A_72 : i32 to vector<1x128xi32>
    %eq3A_74 = arith.cmpi eq, %iota3A, %eq3A_73 : vector<1x128xi32>
    %jit3A_75 = arith.constant 0.000000e+00 : f32
    %broadcast_in_dim3A_76 = vector.broadcast %reduce_sum3A_60 : f32 to vector<1x128xf32>
    %broadcast_in_dim3A_77 = vector.broadcast %jit3A_75 : f32 to vector<1x128xf32>
    %select_n3A_78 = arith.select %eq3A_74, %broadcast_in_dim3A_76, %broadcast_in_dim3A_77 : vector<1x128xi1>, vector<1x128xf32>
    %add3A_79 = arith.addf %add3A_71, %select_n3A_78 : vector<1x128xf32>
    %swap3A = arith.constant 0 : index
    %swap3A_80 = arith.constant 0 : index
    %swap3A_81 = vector.load %arg5[%swap3A, %swap3A_80] : memref<1x128xf32, #tpu.memory_space<vmem>>, vector<1x128xf32>
    tpu.vector_store %arg5[%swap3A, %swap3A_80], %add3A_79 {strides = array<i32>} : memref<1x128xf32, #tpu.memory_space<vmem>>, vector<1x128xf32>,
    %eq3A_82 = arith.constant 3 : i32
    %eq3A_83 = arith.cmpi eq, %arg0, %eq3A_82 : i32
    %convert_element_type3A_84 = arith.extui %eq3A_83 : i1 to i32
    %cond3A_85 = arith.constant 0 : i32
    %cond3A_86 = arith.cmpi ne, %convert_element_type3A_84, %cond3A_85 : i32
    scf.if %cond3A_86 {
      %get3A_87 = arith.constant 0 : index
      %get3A_88 = arith.constant 0 : index
      %get3A_89 = vector.load %arg5[%get3A_87, %get3A_88] : memref<1x128xf32, #tpu.memory_space<vmem>>, vector<1x128xf32>
      %eq3A_90 = arith.constant 0 : i32
      %eq3A_91 = vector.broadcast %eq3A_90 : i32 to vector<1x128xi32>
      %eq3A_92 = arith.cmpi eq, %iota3A, %eq3A_91 : vector<1x128xi32>
      %div3A_93 = arith.constant 8.000000e+04 : f32
      %div3A_94 = vector.broadcast %div3A_93 : f32 to vector<1x128xf32>
      %div3A_95 = arith.divf %get3A_89, %div3A_94 : vector<1x128xf32>
      %div3A_96 = arith.constant 8.000000e+04 : f32
      %div3A_97 = vector.broadcast %div3A_96 : f32 to vector<1x128xf32>
      %div3A_98 = arith.divf %get3A_89, %div3A_97 : vector<1x128xf32>
      %sub3A_99 = arith.constant 1.000000e+00 : f32
      %sub3A_100 = vector.broadcast %sub3A_99 : f32 to vector<1x128xf32>
      %sub3A_101 = arith.subf %sub3A_100, %div3A_98 : vector<1x128xf32>
      %select_n3A_102 = arith.select %eq3A_92, %div3A_95, %sub3A_101 : vector<1x128xi1>, vector<1x128xf32>
      %swap3A_103 = arith.constant 0 : index
      %swap3A_104 = arith.constant 0 : index
      %swap3A_105 = vector.load %arg4[%swap3A_103, %swap3A_104] : memref<1x128xf32, #tpu.memory_space<vmem>>, vector<1x128xf32>
      tpu.vector_store %arg4[%swap3A_103, %swap3A_104], %select_n3A_102 {strides = array<i32>} : memref<1x128xf32, #tpu.memory_space<vmem>>, vector<1x128xf32>,
    } else {
    }
    return
  }
  func.func @transform_0(%arg0: i32) -> (i32, i32, i32) {
    %c0_i32 = arith.constant 0 : i32
    %c0_i32_0 = arith.constant 0 : i32
    %c0_i32_1 = arith.constant 0 : i32
    return %arg0, %c0_i32, %c0_i32_0 : i32, i32, i32
  }
  func.func @transform_1(%arg0: i32) -> (i32, i32, i32) {
    %c0_i32 = arith.constant 0 : i32
    %c0_i32_0 = arith.constant 0 : i32
    %c0_i32_1 = arith.constant 0 : i32
    return %arg0, %c0_i32, %c0_i32_0 : i32, i32, i32
  }
  func.func @transform_2(%arg0: i32) -> (i32, i32, i32) {
    %c0_i32 = arith.constant 0 : i32
    %c0_i32_0 = arith.constant 0 : i32
    %c0_i32_1 = arith.constant 0 : i32
    return %arg0, %c0_i32, %c0_i32_0 : i32, i32, i32
  }
  func.func @transform_3(%arg0: i32) -> (i32, i32) {
    %c0_i32 = arith.constant 0 : i32
    %c0_i32_0 = arith.constant 0 : i32
    %c0_i32_1 = arith.constant 0 : i32
    return %c0_i32, %c0_i32_0 : i32, i32
  }
}

</mosaic_0001>

<sc_bundles>
// kernel: kernel.5.cloned.1.call-start
scs
__scs_entry_jumppad:
0x0: {  	(pc) =	sbr.rel $0x88, $3  }
0x1: {  	(tag) =	ssettag $0x0;
	lr =	simm.s32 $0x1  }
0x2: {  	[smem:$0x3F9F] =	sst lr;
	_ =	strace $0xD0000000  }
0x3: {  	_ = 	snop  }
0x4: {  	_ = 	snop  }
0x5: {  	_ = 	snop  }
0x6: {  	_ = 	snop  }
0x7: {  	_ = 	snop  }
__scs_overlays_trampoline_lowered:
0x8: {  	[smem:$0x3FAE] =	sst s0  }
0x9: {  	[smem:$0x3FAF] =	sst s1  }
0xa: {  	[smem:$0x3FB0] =	sst s2  }
0xb: {  	[smem:$0x3FB1] =	sst s3  }
0xc: {  	[smem:$0x3FB2] =	sst s4  }
0xd: {  	[smem:$0x3FB3] =	sst s5  }
0xe: {  	[smem:$0x3FB4] =	sst s6  }
0xf: {  	[smem:$0x3FB5] =	sst s7  }
0x10: {  	[smem:$0x3FB6] =	sst s8  }
0x11: {  	[smem:$0x3FB7] =	sst s9;
	s0 =	simm.s32 @!p0 $0x0  }
0x12: {  	s1 =	sld [smem:$0x3F9D];
	s0 =	simm.s32 @p0 $0x1  }
0x13: {  	[smem:$0x3FB8] =	sst s0;
	s0 =	simm.s32 @!p1 $0x0  }
0x14: {  	s2 =	sld [smem:$0x3F9C];
	s0 =	simm.s32 @p1 $0x1  }
0x15: {  	[smem:$0x3FB9] =	sst s0;
	s0 =	simm.s32 @!p2 $0x0  }
0x16: {  	s3 =	sld [smem:$0x3FDB];
	s0 =	simm.s32 @p2 $0x1  }
0x17: {  	s4 =	simm.s32 $0x1BF5;
	[smem:$0x3FBB] =	sst s0  }
0x18: {  	s0 =	sld [smem:$0x3F9E];
	_ =	swait.ge [sflag:s4], $0x0  }
0x19: {  	s7 =	sld [smem:$0x3F9F]  }
0x1a: {  	s8 =	sadd.s32 $0xFFFFE003, lr  }
0x1b: {  	s9 =	sadd.s32 $0xFFFFFEF7, lr;
	s5 =	simm.s32 $0xFFFFFFFF;
	p2 =	slt.u32 s8, $0xFFFFF086  }
0x1c: {  	p1 =	slt.u32 s9, $0xF7A;
	s5 =	simm.s32 @!p2 $0x0  }
0x1d: {  	s5 =	simm.s32 @p1 $0x1;
	p0 =	seq.s32 s7, s2  }
0x1e: {  	s7 =	smul.u32 @!p0 $0xF7A, s2;
	p2 =	seq.s32 @!p0 s5, $0x0  }
0x1f: {  	s9 =	smul.u32 $0xF7A, s1;
	s8 =	simm.s32 @!p0 $0x1BF5;
	p2 =	por !p2, p0  }
0x20: {  	[sflag:s8] =	ssyncset.s32 @!p0 $0xFFFFF086;
	s6 =	sadd.s32 @!p0 s3, s7;
	s7 =	simm.s32 @!p0 $0x108  }
0x21: {  	s3 =	sadd.s32 s3, s9;
	s6 =	sadd.s32 @!p0 $0x88, s6;
	s7 =	simm.s32 @p2 $0x1082  }
0x22: {  	[simem:s7], [sflag:s8] =	dma.local @!p0 [hbm:s6], $0xF7A  }
0x23: {  	s9 =	sor.u32 $0xD0000000, s2;
	s6 =	simm.s32 $0x108;
	_ =	swait.ge @!p0 [sflag:s8], $0x0  }
0x24: {  	s3 =	sadd.s32 $0x88, s3;
	s6 =	simm.s32 @!p1 $0x1082;
	[sflag:s4] =	ssyncset.s32 $0xFFFFF086  }
0x25: {  	[simem:s6], [sflag:s4] =	dma.local [hbm:s3], $0xF7A  }
0x26: {  	[smem:$0x3F9F] =	sst s1;
	(tag) =	ssettag s2;
	_ =	strace s9  }
0x27: {  	s1 =	sld [smem:$0x3FAF]  }
0x28: {  	s2 =	sld [smem:$0x3FB0]  }
0x29: {  	s4 =	sld [smem:$0x3FB2]  }
0x2a: {  	p0 =	seq.s32 s5, $0x0;
	s5 =	sld [smem:$0x3FB3]  }
0x2b: {  	s6 =	sld [smem:$0x3FB4]  }
0x2c: {  	s7 =	sld [smem:$0x3FB5]  }
0x2d: {  	s3 =	simm.s32 $0x108;
	s8 =	sld [smem:$0x3FB6]  }
0x2e: {  	s3 =	simm.s32 @!p0 $0x1082;
	s9 =	sld [smem:$0x3FB7]  }
0x2f: {  	lr =	sadd.s32 s0, s3;
	s0 =	sld [smem:$0x3FAE]  }
0x30: {  	s3 =	sld [smem:$0x3FB1]  }
0x31: {  	[smem:$0x3FBA] =	sst s10  }
0x32: {  	s10 =	sld [smem:$0x3FB8];
	_ =	sdelay $0x3  }
0x33: {  	p0 =	seq.s32 s10, $0x1;
	s10 =	sld [smem:$0x3FBA];
	_ =	sdelay $0x3  }
0x34: {  	[smem:$0x3FBA] =	sst s10  }
0x35: {  	s10 =	sld [smem:$0x3FB9];
	_ =	sdelay $0x3  }
0x36: {  	p1 =	seq.s32 s10, $0x1;
	s10 =	sld [smem:$0x3FBA];
	_ =	sdelay $0x3  }
0x37: {  	[smem:$0x3FBA] =	sst s10  }
0x38: {  	s10 =	sld [smem:$0x3FBB]  }
0x39: {  	_ = 	snop;
	(pc) =	sbr.ind lr, $3  }
0x3a: {  	_ = 	snop  }
0x3b: {  	_ = 	snop  }
0x3c: {  	p2 =	seq.s32 s10, $0x1;
	s10 =	sld [smem:$0x3FBA]  }
0x3d: {  	_ =	shalt  }
0x3e: {  	_ =	shalt  }
0x3f: {  	_ =	shalt  }
0x40: {  	_ =	shalt  }
0x41: {  	_ =	shalt  }
0x42: {  	_ =	shalt  }
0x43: {  	_ =	shalt  }
0x44: {  	_ =	shalt  }
0x45: {  	_ =	shalt  }
0x46: {  	_ =	shalt  }
0x47: {  	_ =	shalt  }
0x48: {  	_ =	shalt  }
0x49: {  	_ =	shalt  }
0x4a: {  	_ =	shalt  }
0x4b: {  	_ =	shalt  }
0x4c: {  	_ =	shalt  }
0x4d: {  	_ =	shalt  }
0x4e: {  	_ =	shalt  }
0x4f: {  	_ =	shalt  }
0x50: {  	_ =	shalt  }
0x51: {  	_ =	shalt  }
0x52: {  	_ =	shalt  }
0x53: {  	_ =	shalt  }
0x54: {  	_ =	shalt  }
0x55: {  	_ =	shalt  }
0x56: {  	_ =	shalt  }
0x57: {  	_ =	shalt  }
0x58: {  	_ =	shalt  }
0x59: {  	_ =	shalt  }
0x5a: {  	_ =	shalt  }
0x5b: {  	_ =	shalt  }
0x5c: {  	_ =	shalt  }
0x5d: {  	_ =	shalt  }
0x5e: {  	_ =	shalt  }
0x5f: {  	_ =	shalt  }
0x60: {  	_ =	shalt  }
0x61: {  	_ =	shalt  }
0x62: {  	_ =	shalt  }
0x63: {  	_ =	shalt  }
0x64: {  	_ =	shalt  }
0x65: {  	_ =	shalt  }
0x66: {  	_ =	shalt  }
0x67: {  	_ =	shalt  }
0x68: {  	_ =	shalt  }
0x69: {  	_ =	shalt  }
0x6a: {  	_ =	shalt  }
0x6b: {  	_ =	shalt  }
0x6c: {  	_ =	shalt  }
0x6d: {  	_ =	shalt  }
0x6e: {  	_ =	shalt  }
0x6f: {  	_ =	shalt  }
0x70: {  	_ =	shalt  }
0x71: {  	_ =	shalt  }
0x72: {  	_ =	shalt  }
0x73: {  	_ =	shalt  }
0x74: {  	_ =	shalt  }
0x75: {  	_ =	shalt  }
0x76: {  	_ =	shalt  }
0x77: {  	_ =	shalt  }
0x78: {  	_ =	shalt  }
0x79: {  	_ =	shalt  }
0x7a: {  	_ =	shalt  }
0x7b: {  	_ =	shalt  }
0x7c: {  	_ =	shalt  }
0x7d: {  	_ =	shalt  }
0x7e: {  	_ =	shalt  }
0x7f: {  	_ =	shalt  }
0x80: {  	_ =	shalt  }
0x81: {  	_ =	shalt  }
0x82: {  	_ =	shalt  }
0x83: {  	_ =	shalt  }
0x84: {  	_ =	shalt  }
0x85: {  	_ =	shalt  }
0x86: {  	_ =	shalt  }
0x87: {  	_ =	shalt  }
.Lfunc_end0:
.L_simem_size_0:
called_computation_lowered:
.L_overlay_start_0:
0x88: {  	s2 =	sld [smem:$0x3FD9]  }
0x89: {  	s3 =	sld [smem:$0x3FFE];
	_ =	sdelay $0x1  }
0x8a: {  	s1 =	srdreg.scid  }
0x8b: {  	s0 =	sand.u32 $0x1, s1  }
0x8c: {  	s16 =	sshll.u32 s0, $0xA;
	s2 =	sadd.s32 s3, s2  }
0x8d: {  	s2 =	sadd.s32 s2, s16  }
0x8e: {  	[smem:$0x3FC6] =	sst s2  }
0x8f: {  	_ = 	snop  }
0x90: {  	(tm) =	ssettm $0x1  }
0x91: {  	s17 =	sld [smem:$0x3FFB];
	_ =	sdelay $0x3  }
0x92: {  	_ =	strace s17  }
0x93: {  	s2 =	sld [smem:$0x3FFC];
	_ =	sdelay $0x3  }
0x94: {  	_ =	strace s2  }
0x95: {  	s2 =	sld [smem:$0x3FFD];
	_ =	sdelay $0x3  }
0x96: {  	_ =	strace s2  }
0x97: {  	_ =	strace $0x8FFFFFFF  }
0x98: {  	s18 =	sld [smem:$0x3FDB];
	_ =	sdelay $0x1  }
0x99: {  	s19 =	simm.s32 $_scs_section_size  }
0x9a: {  	s4 =	simm.s32 $_size__tile_overlayer_lowered;
	s5 =	simm.s32 $_tile_overlayer_lowered  }
0x9b: {  	s22 =	simm.s32 $0x1BFF;
	s21 =	sshll.u32 s5, $0x1;
	s2 =	sadd.s32 s19, s18  }
0x9c: {  	s6 =	simm.s32 $0x0;
	s20 =	sshll.u32 s4, $0x1;
	s4 =	sadd.s32 s21, s2  }
0x9d: {  	[timem:s6], [sflag:s22] =	dma.local [hbm:s4], s20  }
0x9e: {  	_ =	swait.ge [sflag:s22], s20  }
0x9f: {  	s3 =	ssub.s32 $0x0, s20;
	[sflag:s22] =	ssyncset.done $0x0  }
0xa0: {  	[sflag:s22] =	ssyncadd.s32 s3;
	_ =	sdelay $0x1  }
0xa1: {  	s23 =	simm.s32 $0x1B8B  }
0xa2: {  	_ =	swait.ge [sflag:s23], $0x1  }
0xa3: {  	[sflag:s23] =	ssyncset.done $0x0  }
0xa4: {  	s25 =	simm.s32 $0x1B8E;
	s24 =	sld [smem:$0x3FFE];
	[sflag:s23] =	ssyncadd.s32 $0xFFFFFFFF  }
0xa5: {  	s26 =	simm.s32 $execute0_lowered;
	[smem:$0x3FD2] =	sst s25  }
0xa6: {  	s4 =	sshll.u32 s26, $0x1;
	_ =	strace $0x80000046;
	[dreg:$0x1] =	wrdreg $0xFFFFFFFF  }
0xa7: {  	s28 =	simm.s32 $_size_execute0_lowered;
	s2 =	sadd.s32 s2, s4;
	[dreg:$0x0] =	wrdreg $0x0  }
0xa8: {  	s4 =	sshll.u32 s28, $0x1;
	[dreg:$0x2] =	wrdreg s2  }
0xa9: {  	[dreg:$0x3] =	wrdreg s4  }
0xaa: {  	[dreg:$0x4] =	wrdreg $0xC0  }
0xab: {  	_ =	task [dreg:s6], $0x5FFFF  }
0xac: {  	[dreg:$0x1] =	wrdreg $0xFFFFFFFF  }
0xad: {  	[dreg:$0x0] =	wrdreg $0x60  }
0xae: {  	[dreg:$0x2] =	wrdreg s24  }
0xaf: {  	[dreg:$0x3] =	wrdreg $0x9  }
0xb0: {  	_ =	task.clear_ibuf [dreg:s6], $0x4FFFF;
	_ =	strace $0x90000046  }
0xb1: {  	s29 =	simm.s32 $0x9;
	_ =	strace $0x80000048  }
0xb2: {  	_ =	swait.ge [sflag:s29], $0x1  }
0xb3: {  	[sflag:s29] =	ssyncadd.s32 $0xFFFFFFFF  }
0xb4: {  	_ =	strace $0x90000048  }
0xb5: {  	_ =	sfence  }
0xb6: {  	s30 =	sld [smem:$0x0];
	_ =	sdelay $0x2  }
0xb7: {  	s31 =	sshll.u32 s1, $0xD;
	s1 =	sshrl.u32 s1, $0x2  }
0xb8: {  	s3 =	sand.u32 $0x4000, s31;
	s1 =	sadd.s32 s1, s30  }
0xb9: {  	s0 =	sor.u32 s3, s0;
	s1 =	sshll.u32 s1, $0x11  }
0xba: {  	s0 =	sor.u32 s1, s0  }
0xbb: {  	s0 =	sadd.s32 $0x8F2B, s0  }
0xbc: {  	[sflag:s0] =	ssyncadd.remote.s32 $0x1  }
0xbd: {  	_ =	sfence.sel $0xFFFF  }
0xbe: {  	[dreg:$0x0] =	wrdreg $0xFFFFFFFF;
	(pc) =	sbr.abs _section_cstart, $3  }
0xbf: {  	[dreg:$0x1] =	wrdreg $0xFFFFFFFF  }
0xc0: {  	_ =	task.clear_ibuf [dreg:s6], $0x2FFFF;
	_ =	strace $0x9FFFFFFF  }
0xc1: {  	(tm) =	ssettm $0x7FFFFFFF  }
tec
execute0_lowered:
.L_overlay_start_1:
0x0: {  	(tag) =	ssettag $0x1  }
0x1: {  	s13 =	rddreg [dreg:$0x0]  }
0x2: {  	s0 =	rddreg [dreg:$0x1];
	s3 =	srdreg.scid  }
0x3: {  	s1 =	stileid.u32;
	s2 =	simm.s32 $0x0;
	s17 =	simm.s32 $0x200  }
0x4: {  	s18 =	simm.s32 $0x1;
	s20 =	simm.s32 $0x1000;
	s21 =	simm.s32 $0x0  }
0x5: {  	s3 =	sand.u32 $0x1, s3;
	s4 =	sshll.u32 s1, $0x1;
	[smem:$0x7FF] =	sst s2  }
0x6: {  	s9 =	sadd.s32 $0xC20, s13;
	s10 =	sadd.s32 $0x820, s13;
	s12 =	sadd.s32 $0xC30, s13  }
0x7: {  	s4 =	sor.u32 s3, s4;
	_ =	strace $0x80000047;
	s6 =	ssub.s32 $0x2, s3  }
0x8: {  	s3 =	sadd.s32 $0xC00, s13;
	s5 =	smul.u32 $0x140, s4;
	s7 =	sshrl.u32 s6, $0x1  }
0x9: {  	s16 =	smul.u32 $0x280, s4;
	s4 =	sadd.s32 $0x800, s13;
	s15 =	ssub.s32 s6, s7  }
0xa: {  	s6 =	sadd.s32 $0xC10, s13;
	s7 =	sadd.s32 $0x810, s13;
	s14 =	sadd.s32 s5, s13  }
0xb: {  	s19 =	sadd.s32 $0x280, s16;
	s13 =	sadd.s32 $0x830, s13;
	s15 =	smax.u32 s15, $0x1  }
0xc: {  	v0 =	vmov s16;
	s16 =	simm.s32 $0x80;
	s5 =	sadd.s32 $0x1000, s14;
	s8 =	sadd.s32 $0x1010, s14  }
0xd: {  	v2 =	vimm.f32 $0.0e+00;
	v3 =	vimm.f32 $1.000000000e+00;
	s11 =	sadd.s32 $0x1020, s14;
	s14 =	sadd.s32 $0x1030, s14;
	v1 =	vmov s19;
	s19 =	simm.s32 $0x800  }
.LBB2_1:
0xe: {  	[tilespmem:$0x1000] =	vst v2  }
0xf: {  	[tilespmem:$0x1010] =	vst v2  }
0x10: {  	[tilespmem:$0x1020] =	vst v2  }
0x11: {  	[tilespmem:$0x1030] =	vst v2  }
0x12: {  	[tilespmem:$0x1040] =	vst v2  }
0x13: {  	[tilespmem:$0x1050] =	vst v2  }
0x14: {  	[tilespmem:$0x1060] =	vst v2  }
0x15: {  	[tilespmem:$0x1070] =	vst v2  }
0x16: {  	[tilespmem:$0x1080] =	vst v2  }
0x17: {  	[tilespmem:$0x1090] =	vst v2  }
0x18: {  	[tilespmem:$0x10A0] =	vst v2  }
0x19: {  	[tilespmem:$0x10B0] =	vst v2  }
0x1a: {  	[tilespmem:$0x10C0] =	vst v2  }
0x1b: {  	[tilespmem:$0x10D0] =	vst v2  }
0x1c: {  	[tilespmem:$0x10E0] =	vst v2  }
0x1d: {  	[tilespmem:$0x10F0] =	vst v2  }
0x1e: {  	[tilespmem:$0x1100] =	vst v2  }
0x1f: {  	[tilespmem:$0x1110] =	vst v2  }
0x20: {  	[tilespmem:$0x1120] =	vst v2  }
0x21: {  	[tilespmem:$0x1130] =	vst v2  }
0x22: {  	[tilespmem:$0x1140] =	vst v2  }
0x23: {  	[tilespmem:$0x1150] =	vst v2  }
0x24: {  	[tilespmem:$0x1160] =	vst v2  }
0x25: {  	[tilespmem:$0x1170] =	vst v2  }
0x26: {  	[tilespmem:$0x1180] =	vst v2  }
0x27: {  	[tilespmem:$0x1190] =	vst v2  }
0x28: {  	[tilespmem:$0x11A0] =	vst v2  }
0x29: {  	[tilespmem:$0x11B0] =	vst v2  }
0x2a: {  	[tilespmem:$0x11C0] =	vst v2  }
0x2b: {  	[tilespmem:$0x11D0] =	vst v2  }
0x2c: {  	[tilespmem:$0x11E0] =	vst v2  }
0x2d: {  	[tilespmem:$0x11F0] =	vst v2  }
0x2e: {  	[tilespmem:$0x1200] =	vst v2  }
0x2f: {  	[tilespmem:$0x1210] =	vst v2  }
0x30: {  	[tilespmem:$0x1220] =	vst v2  }
0x31: {  	[tilespmem:$0x1230] =	vst v2  }
0x32: {  	[tilespmem:$0x1240] =	vst v2  }
0x33: {  	[tilespmem:$0x1250] =	vst v2  }
0x34: {  	[tilespmem:$0x1260] =	vst v2  }
0x35: {  	[tilespmem:$0x1270] =	vst v2  }
0x36: {  	[tilespmem:s2], [sflag:$0x1] =	stream.strided.gather [hbm4b:s3+s16], $0x800, s17, s16, $0x38;
	[tilespmem:$0x1280] =	vst v63  }
0x37: {  	_ =	swait.ge [sflag:s18], $0x800  }
0x38: {  	[sflag:s18] =	ssyncset.done $0x0  }
0x39: {  	[sflag:s18] =	ssyncadd.s32 $0xFFFFF800  }
0x3a: {  	[tilespmem:s19], [sflag:$0x1] =	stream.strided.gather [hbm4b:s4+s16], $0x800, s17, s16, $0x38;
	[tilespmem:$0x1280] =	vst v63  }
0x3b: {  	_ =	swait.ge [sflag:s18], $0x800  }
0x3c: {  	[sflag:s18] =	ssyncset.done $0x0  }
0x3d: {  	s23 =	simm.s32 $0x0;
	s22 =	simm.s32 $0x40;
	[sflag:s18] =	ssyncadd.s32 $0xFFFFF800  }
.LBB2_2:
0x3e: {  	p0 =	sne.s32 s22, $0x1FC0;
	v4 =	vld [tilespmem:s23+$0x800]  }
0x3f: {  	v5 =	vld [tilespmem:s23+$0x0];
	_ =	sdelay $0x3  }
0x40: {  	v4 =	vmul.u32 $0x7D0, v4  }
0x41: {  	v6 =	vand.u32 $0x7FF, v5  }
0x42: {  	v5 =	vand.u32 $0xFFFFF800, v5;
	v4 =	vadd.s32 v6, v4  }
0x43: {  	vm0 =	vlt.s32 v5, $0x40F163CA;
	vm1 =	vlt.s32 v4, v1  }
0x44: {  	vm2 =	vge.s32 v4, v0;
	vm0 =	vmand vm0, vm1  }
0x45: {  	v4 =	vsub.s32 v4, v0;
	vm0 =	vmand vm0, vm2  }
0x46: {  	v4 =	vnsel vm0, $0x0, v4  }
.Ltmp0:
0x47: {  	(pc) =	sbr.rel @p0 .LBB2_2-.Ltmp0, $2  }
0x48: {  	_ =	sdelay $0x2  }
0x49: {  	s23 =	sshra.s32 s22, $0x2;
	s22 =	sadd.s32 $0x40, s22;
	[tilespmem:v4+s20+$0x0] =	vst.idx.msk vm0, v3  }
0x4a: {  	v4 =	vld [tilespmem:s23+$0x800]  }
0x4b: {  	v5 =	vld [tilespmem:s23+$0x0];
	_ =	sdelay $0x3  }
0x4c: {  	v4 =	vmul.u32 $0x7D0, v4  }
0x4d: {  	v6 =	vand.u32 $0x7FF, v5  }
0x4e: {  	v5 =	vand.u32 $0xFFFFF800, v5;
	v4 =	vadd.s32 v6, v4  }
0x4f: {  	vm0 =	vlt.s32 v5, $0x40F163CA;
	vm1 =	vlt.s32 v4, v1  }
0x50: {  	vm2 =	vge.s32 v4, v0;
	vm0 =	vmand vm0, vm1  }
0x51: {  	v4 =	vsub.s32 v4, v0;
	vm0 =	vmand vm0, vm2  }
0x52: {  	v4 =	vnsel vm0, $0x0, v4;
	_ =	sdelay $0x4  }
0x53: {  	[tilespmem:v4+s20+$0x0] =	vst.idx.msk vm0, v3  }
0x54: {  	[hbm4b:s5+s16] =	stream.strided.scatter [tilespmem:s20], [sflag:$0x1], $0x280, s17, s16, $0x38;
	[tilespmem:$0x1280] =	vst v63  }
0x55: {  	_ =	swait.ge [sflag:s18], $0x280  }
0x56: {  	[sflag:s18] =	ssyncset.done $0x0  }
0x57: {  	[sflag:s18] =	ssyncadd.s32 $0xFFFFFD80  }
0x58: {  	[tilespmem:$0x1000] =	vst v2  }
0x59: {  	[tilespmem:$0x1010] =	vst v2  }
0x5a: {  	[tilespmem:$0x1020] =	vst v2  }
0x5b: {  	[tilespmem:$0x1030] =	vst v2  }
0x5c: {  	[tilespmem:$0x1040] =	vst v2  }
0x5d: {  	[tilespmem:$0x1050] =	vst v2  }
0x5e: {  	[tilespmem:$0x1060] =	vst v2  }
0x5f: {  	[tilespmem:$0x1070] =	vst v2  }
0x60: {  	[tilespmem:$0x1080] =	vst v2  }
0x61: {  	[tilespmem:$0x1090] =	vst v2  }
0x62: {  	[tilespmem:$0x10A0] =	vst v2  }
0x63: {  	[tilespmem:$0x10B0] =	vst v2  }
0x64: {  	[tilespmem:$0x10C0] =	vst v2  }
0x65: {  	[tilespmem:$0x10D0] =	vst v2  }
0x66: {  	[tilespmem:$0x10E0] =	vst v2  }
0x67: {  	[tilespmem:$0x10F0] =	vst v2  }
0x68: {  	[tilespmem:$0x1100] =	vst v2  }
0x69: {  	[tilespmem:$0x1110] =	vst v2  }
0x6a: {  	[tilespmem:$0x1120] =	vst v2  }
0x6b: {  	[tilespmem:$0x1130] =	vst v2  }
0x6c: {  	[tilespmem:$0x1140] =	vst v2  }
0x6d: {  	[tilespmem:$0x1150] =	vst v2  }
0x6e: {  	[tilespmem:$0x1160] =	vst v2  }
0x6f: {  	[tilespmem:$0x1170] =	vst v2  }
0x70: {  	[tilespmem:$0x1180] =	vst v2  }
0x71: {  	[tilespmem:$0x1190] =	vst v2  }
0x72: {  	[tilespmem:$0x11A0] =	vst v2  }
0x73: {  	[tilespmem:$0x11B0] =	vst v2  }
0x74: {  	[tilespmem:$0x11C0] =	vst v2  }
0x75: {  	[tilespmem:$0x11D0] =	vst v2  }
0x76: {  	[tilespmem:$0x11E0] =	vst v2  }
0x77: {  	[tilespmem:$0x11F0] =	vst v2  }
0x78: {  	[tilespmem:$0x1200] =	vst v2  }
0x79: {  	[tilespmem:$0x1210] =	vst v2  }
0x7a: {  	[tilespmem:$0x1220] =	vst v2  }
0x7b: {  	[tilespmem:$0x1230] =	vst v2  }
0x7c: {  	[tilespmem:$0x1240] =	vst v2  }
0x7d: {  	[tilespmem:$0x1250] =	vst v2  }
0x7e: {  	[tilespmem:$0x1260] =	vst v2  }
0x7f: {  	s22 =	simm.s32 $0x0;
	[tilespmem:$0x1270] =	vst v2  }
0x80: {  	[tilespmem:s22], [sflag:$0x1] =	stream.strided.gather [hbm4b:s6+s16], $0x800, s17, s16, $0x38;
	[tilespmem:$0x1280] =	vst v63  }
0x81: {  	_ =	swait.ge [sflag:s18], $0x800  }
0x82: {  	[sflag:s18] =	ssyncset.done $0x0  }
0x83: {  	[sflag:s18] =	ssyncadd.s32 $0xFFFFF800  }
0x84: {  	[tilespmem:s19], [sflag:$0x1] =	stream.strided.gather [hbm4b:s7+s16], $0x800, s17, s16, $0x38;
	[tilespmem:$0x1280] =	vst v63  }
0x85: {  	_ =	swait.ge [sflag:s18], $0x800  }
0x86: {  	[sflag:s18] =	ssyncset.done $0x0  }
0x87: {  	s23 =	simm.s32 $0x0;
	s22 =	simm.s32 $0x40;
	[sflag:s18] =	ssyncadd.s32 $0xFFFFF800  }
.LBB2_4:
0x88: {  	p0 =	sne.s32 s22, $0x1FC0;
	v4 =	vld [tilespmem:s23+$0x800]  }
0x89: {  	v5 =	vld [tilespmem:s23+$0x0];
	_ =	sdelay $0x3  }
0x8a: {  	v4 =	vmul.u32 $0x7D0, v4  }
0x8b: {  	v6 =	vand.u32 $0x7FF, v5  }
0x8c: {  	v5 =	vand.u32 $0xFFFFF800, v5;
	v4 =	vadd.s32 v6, v4  }
0x8d: {  	vm0 =	vlt.s32 v5, $0x40F163CA;
	vm1 =	vlt.s32 v4, v1  }
0x8e: {  	vm2 =	vge.s32 v4, v0;
	vm0 =	vmand vm0, vm1  }
0x8f: {  	v4 =	vsub.s32 v4, v0;
	vm0 =	vmand vm0, vm2  }
0x90: {  	v4 =	vnsel vm0, $0x0, v4  }
.Ltmp1:
0x91: {  	(pc) =	sbr.rel @p0 .LBB2_4-.Ltmp1, $2  }
0x92: {  	_ =	sdelay $0x2  }
0x93: {  	s23 =	sshra.s32 s22, $0x2;
	s22 =	sadd.s32 $0x40, s22;
	[tilespmem:v4+s20+$0x0] =	vst.idx.msk vm0, v3  }
0x94: {  	v4 =	vld [tilespmem:s23+$0x800]  }
0x95: {  	v5 =	vld [tilespmem:s23+$0x0];
	_ =	sdelay $0x3  }
0x96: {  	v4 =	vmul.u32 $0x7D0, v4  }
0x97: {  	v6 =	vand.u32 $0x7FF, v5  }
0x98: {  	v5 =	vand.u32 $0xFFFFF800, v5;
	v4 =	vadd.s32 v6, v4  }
0x99: {  	vm0 =	vlt.s32 v5, $0x40F163CA;
	vm1 =	vlt.s32 v4, v1  }
0x9a: {  	vm2 =	vge.s32 v4, v0;
	vm0 =	vmand vm0, vm1  }
0x9b: {  	v4 =	vsub.s32 v4, v0;
	vm0 =	vmand vm0, vm2  }
0x9c: {  	v4 =	vnsel vm0, $0x0, v4;
	_ =	sdelay $0x4  }
0x9d: {  	[tilespmem:v4+s20+$0x0] =	vst.idx.msk vm0, v3  }
0x9e: {  	[hbm4b:s8+s16] =	stream.strided.scatter [tilespmem:s20], [sflag:$0x1], $0x280, s17, s16, $0x38;
	[tilespmem:$0x1280] =	vst v63  }
0x9f: {  	_ =	swait.ge [sflag:s18], $0x280  }
0xa0: {  	[sflag:s18] =	ssyncset.done $0x0  }
0xa1: {  	[sflag:s18] =	ssyncadd.s32 $0xFFFFFD80  }
0xa2: {  	[tilespmem:$0x1000] =	vst v2  }
0xa3: {  	[tilespmem:$0x1010] =	vst v2  }
0xa4: {  	[tilespmem:$0x1020] =	vst v2  }
0xa5: {  	[tilespmem:$0x1030] =	vst v2  }
0xa6: {  	[tilespmem:$0x1040] =	vst v2  }
0xa7: {  	[tilespmem:$0x1050] =	vst v2  }
0xa8: {  	[tilespmem:$0x1060] =	vst v2  }
0xa9: {  	[tilespmem:$0x1070] =	vst v2  }
0xaa: {  	[tilespmem:$0x1080] =	vst v2  }
0xab: {  	[tilespmem:$0x1090] =	vst v2  }
0xac: {  	[tilespmem:$0x10A0] =	vst v2  }
0xad: {  	[tilespmem:$0x10B0] =	vst v2  }
0xae: {  	[tilespmem:$0x10C0] =	vst v2  }
0xaf: {  	[tilespmem:$0x10D0] =	vst v2  }
0xb0: {  	[tilespmem:$0x10E0] =	vst v2  }
0xb1: {  	[tilespmem:$0x10F0] =	vst v2  }
0xb2: {  	[tilespmem:$0x1100] =	vst v2  }
0xb3: {  	[tilespmem:$0x1110] =	vst v2  }
0xb4: {  	[tilespmem:$0x1120] =	vst v2  }
0xb5: {  	[tilespmem:$0x1130] =	vst v2  }
0xb6: {  	[tilespmem:$0x1140] =	vst v2  }
0xb7: {  	[tilespmem:$0x1150] =	vst v2  }
0xb8: {  	[tilespmem:$0x1160] =	vst v2  }
0xb9: {  	[tilespmem:$0x1170] =	vst v2  }
0xba: {  	[tilespmem:$0x1180] =	vst v2  }
0xbb: {  	[tilespmem:$0x1190] =	vst v2  }
0xbc: {  	[tilespmem:$0x11A0] =	vst v2  }
0xbd: {  	[tilespmem:$0x11B0] =	vst v2  }
0xbe: {  	[tilespmem:$0x11C0] =	vst v2  }
0xbf: {  	[tilespmem:$0x11D0] =	vst v2  }
0xc0: {  	[tilespmem:$0x11E0] =	vst v2  }
0xc1: {  	[tilespmem:$0x11F0] =	vst v2  }
0xc2: {  	[tilespmem:$0x1200] =	vst v2  }
0xc3: {  	[tilespmem:$0x1210] =	vst v2  }
0xc4: {  	[tilespmem:$0x1220] =	vst v2  }
0xc5: {  	[tilespmem:$0x1230] =	vst v2  }
0xc6: {  	[tilespmem:$0x1240] =	vst v2  }
0xc7: {  	[tilespmem:$0x1250] =	vst v2  }
0xc8: {  	[tilespmem:$0x1260] =	vst v2  }
0xc9: {  	s22 =	simm.s32 $0x0;
	[tilespmem:$0x1270] =	vst v2  }
0xca: {  	[tilespmem:s22], [sflag:$0x1] =	stream.strided.gather [hbm4b:s9+s16], $0x800, s17, s16, $0x38;
	[tilespmem:$0x1280] =	vst v63  }
0xcb: {  	_ =	swait.ge [sflag:s18], $0x800  }
0xcc: {  	[sflag:s18] =	ssyncset.done $0x0  }
0xcd: {  	[sflag:s18] =	ssyncadd.s32 $0xFFFFF800  }
0xce: {  	[tilespmem:s19], [sflag:$0x1] =	stream.strided.gather [hbm4b:s10+s16], $0x800, s17, s16, $0x38;
	[tilespmem:$0x1280] =	vst v63  }
0xcf: {  	_ =	swait.ge [sflag:s18], $0x800  }
0xd0: {  	[sflag:s18] =	ssyncset.done $0x0  }
0xd1: {  	s23 =	simm.s32 $0x0;
	s22 =	simm.s32 $0x40;
	[sflag:s18] =	ssyncadd.s32 $0xFFFFF800  }
.LBB2_6:
0xd2: {  	p0 =	sne.s32 s22, $0x1FC0;
	v4 =	vld [tilespmem:s23+$0x800]  }
0xd3: {  	v5 =	vld [tilespmem:s23+$0x0];
	_ =	sdelay $0x3  }
0xd4: {  	v4 =	vmul.u32 $0x7D0, v4  }
0xd5: {  	v6 =	vand.u32 $0x7FF, v5  }
0xd6: {  	v5 =	vand.u32 $0xFFFFF800, v5;
	v4 =	vadd.s32 v6, v4  }
0xd7: {  	vm0 =	vlt.s32 v5, $0x40F163CA;
	vm1 =	vlt.s32 v4, v1  }
0xd8: {  	vm2 =	vge.s32 v4, v0;
	vm0 =	vmand vm0, vm1  }
0xd9: {  	v4 =	vsub.s32 v4, v0;
	vm0 =	vmand vm0, vm2  }
0xda: {  	v4 =	vnsel vm0, $0x0, v4  }
.Ltmp2:
0xdb: {  	(pc) =	sbr.rel @p0 .LBB2_6-.Ltmp2, $2  }
0xdc: {  	_ =	sdelay $0x2  }
0xdd: {  	s23 =	sshra.s32 s22, $0x2;
	s22 =	sadd.s32 $0x40, s22;
	[tilespmem:v4+s20+$0x0] =	vst.idx.msk vm0, v3  }
0xde: {  	v4 =	vld [tilespmem:s23+$0x800]  }
0xdf: {  	v5 =	vld [tilespmem:s23+$0x0];
	_ =	sdelay $0x3  }
0xe0: {  	v4 =	vmul.u32 $0x7D0, v4  }
0xe1: {  	v6 =	vand.u32 $0x7FF, v5  }
0xe2: {  	v5 =	vand.u32 $0xFFFFF800, v5;
	v4 =	vadd.s32 v6, v4  }
0xe3: {  	vm0 =	vlt.s32 v5, $0x40F163CA;
	vm1 =	vlt.s32 v4, v1  }
0xe4: {  	vm2 =	vge.s32 v4, v0;
	vm0 =	vmand vm0, vm1  }
0xe5: {  	v4 =	vsub.s32 v4, v0;
	vm0 =	vmand vm0, vm2  }
0xe6: {  	v4 =	vnsel vm0, $0x0, v4;
	_ =	sdelay $0x4  }
0xe7: {  	[tilespmem:v4+s20+$0x0] =	vst.idx.msk vm0, v3  }
0xe8: {  	[hbm4b:s11+s16] =	stream.strided.scatter [tilespmem:s20], [sflag:$0x1], $0x280, s17, s16, $0x38;
	[tilespmem:$0x1280] =	vst v63  }
0xe9: {  	_ =	swait.ge [sflag:s18], $0x280  }
0xea: {  	[sflag:s18] =	ssyncset.done $0x0  }
0xeb: {  	[sflag:s18] =	ssyncadd.s32 $0xFFFFFD80  }
0xec: {  	[tilespmem:$0x1000] =	vst v2  }
0xed: {  	[tilespmem:$0x1010] =	vst v2  }
0xee: {  	[tilespmem:$0x1020] =	vst v2  }
0xef: {  	[tilespmem:$0x1030] =	vst v2  }
0xf0: {  	[tilespmem:$0x1040] =	vst v2  }
0xf1: {  	[tilespmem:$0x1050] =	vst v2  }
0xf2: {  	[tilespmem:$0x1060] =	vst v2  }
0xf3: {  	[tilespmem:$0x1070] =	vst v2  }
0xf4: {  	[tilespmem:$0x1080] =	vst v2  }
0xf5: {  	[tilespmem:$0x1090] =	vst v2  }
0xf6: {  	[tilespmem:$0x10A0] =	vst v2  }
0xf7: {  	[tilespmem:$0x10B0] =	vst v2  }
0xf8: {  	[tilespmem:$0x10C0] =	vst v2  }
0xf9: {  	[tilespmem:$0x10D0] =	vst v2  }
0xfa: {  	[tilespmem:$0x10E0] =	vst v2  }
0xfb: {  	[tilespmem:$0x10F0] =	vst v2  }
0xfc: {  	[tilespmem:$0x1100] =	vst v2  }
0xfd: {  	[tilespmem:$0x1110] =	vst v2  }
0xfe: {  	[tilespmem:$0x1120] =	vst v2  }
0xff: {  	[tilespmem:$0x1130] =	vst v2  }
0x100: {  	[tilespmem:$0x1140] =	vst v2  }
0x101: {  	[tilespmem:$0x1150] =	vst v2  }
0x102: {  	[tilespmem:$0x1160] =	vst v2  }
0x103: {  	[tilespmem:$0x1170] =	vst v2  }
0x104: {  	[tilespmem:$0x1180] =	vst v2  }
0x105: {  	[tilespmem:$0x1190] =	vst v2  }
0x106: {  	[tilespmem:$0x11A0] =	vst v2  }
0x107: {  	[tilespmem:$0x11B0] =	vst v2  }
0x108: {  	[tilespmem:$0x11C0] =	vst v2  }
0x109: {  	[tilespmem:$0x11D0] =	vst v2  }
0x10a: {  	[tilespmem:$0x11E0] =	vst v2  }
0x10b: {  	[tilespmem:$0x11F0] =	vst v2  }
0x10c: {  	[tilespmem:$0x1200] =	vst v2  }
0x10d: {  	[tilespmem:$0x1210] =	vst v2  }
0x10e: {  	[tilespmem:$0x1220] =	vst v2  }
0x10f: {  	[tilespmem:$0x1230] =	vst v2  }
0x110: {  	[tilespmem:$0x1240] =	vst v2  }
0x111: {  	[tilespmem:$0x1250] =	vst v2  }
0x112: {  	[tilespmem:$0x1260] =	vst v2  }
0x113: {  	s22 =	simm.s32 $0x0;
	[tilespmem:$0x1270] =	vst v2  }
0x114: {  	[tilespmem:s22], [sflag:$0x1] =	stream.strided.gather [hbm4b:s12+s16], $0x800, s17, s16, $0x38;
	[tilespmem:$0x1280] =	vst v63  }
0x115: {  	_ =	swait.ge [sflag:s18], $0x800  }
0x116: {  	[sflag:s18] =	ssyncset.done $0x0  }
0x117: {  	[sflag:s18] =	ssyncadd.s32 $0xFFFFF800  }
0x118: {  	[tilespmem:s19], [sflag:$0x1] =	stream.strided.gather [hbm4b:s13+s16], $0x800, s17, s16, $0x38;
	[tilespmem:$0x1280] =	vst v63  }
0x119: {  	_ =	swait.ge [sflag:s18], $0x800  }
0x11a: {  	[sflag:s18] =	ssyncset.done $0x0  }
0x11b: {  	s23 =	simm.s32 $0x0;
	s22 =	simm.s32 $0x40;
	[sflag:s18] =	ssyncadd.s32 $0xFFFFF800  }
.LBB2_8:
0x11c: {  	p0 =	sne.s32 s22, $0x1FC0;
	v4 =	vld [tilespmem:s23+$0x800]  }
0x11d: {  	v5 =	vld [tilespmem:s23+$0x0];
	_ =	sdelay $0x3  }
0x11e: {  	v4 =	vmul.u32 $0x7D0, v4  }
0x11f: {  	v6 =	vand.u32 $0x7FF, v5  }
0x120: {  	v5 =	vand.u32 $0xFFFFF800, v5;
	v4 =	vadd.s32 v6, v4  }
0x121: {  	vm0 =	vlt.s32 v5, $0x40F163CA;
	vm1 =	vlt.s32 v4, v1  }
0x122: {  	vm2 =	vge.s32 v4, v0;
	vm0 =	vmand vm0, vm1  }
0x123: {  	v4 =	vsub.s32 v4, v0;
	vm0 =	vmand vm0, vm2  }
0x124: {  	v4 =	vnsel vm0, $0x0, v4  }
.Ltmp3:
0x125: {  	(pc) =	sbr.rel @p0 .LBB2_8-.Ltmp3, $2  }
0x126: {  	_ =	sdelay $0x2  }
0x127: {  	s23 =	sshra.s32 s22, $0x2;
	s22 =	sadd.s32 $0x40, s22;
	[tilespmem:v4+s20+$0x0] =	vst.idx.msk vm0, v3  }
0x128: {  	v4 =	vld [tilespmem:s23+$0x800]  }
0x129: {  	v5 =	vld [tilespmem:s23+$0x0];
	_ =	sdelay $0x3  }
0x12a: {  	v4 =	vmul.u32 $0x7D0, v4  }
0x12b: {  	v6 =	vand.u32 $0x7FF, v5  }
0x12c: {  	v5 =	vand.u32 $0xFFFFF800, v5;
	v4 =	vadd.s32 v6, v4  }
0x12d: {  	vm0 =	vlt.s32 v5, $0x40F163CA;
	vm1 =	vlt.s32 v4, v1  }
0x12e: {  	vm2 =	vge.s32 v4, v0;
	vm0 =	vmand vm0, vm1  }
0x12f: {  	v4 =	vsub.s32 v4, v0;
	vm0 =	vmand vm0, vm2  }
0x130: {  	v4 =	vnsel vm0, $0x0, v4;
	_ =	sdelay $0x2  }
0x131: {  	s21 =	sadd.s32 $0x1, s21  }
0x132: {  	p0 =	sne.s32 s21, s15  }
.Ltmp4:
0x133: {  	[tilespmem:v4+s20+$0x0] =	vst.idx.msk vm0, v3;
	(pc) =	sbr.rel @p0 .LBB2_1-.Ltmp4, $4  }
0x134: {  	[hbm4b:s14+s16] =	stream.strided.scatter [tilespmem:s20], [sflag:$0x1], $0x280, s17, s16, $0x38;
	[tilespmem:$0x1280] =	vst v63  }
0x135: {  	_ =	swait.ge [sflag:s18], $0x280  }
0x136: {  	[sflag:s18] =	ssyncset.done $0x0  }
0x137: {  	[sflag:s18] =	ssyncadd.s32 $0xFFFFFD80  }
0x138: {  	_ =	sfence.sel $0x180000  }
0x139: {  	[bflag:$0x0] =	sbarrier.arrive $0xFFFF  }
0x13a: {  	p0 =	sne.s32 s1, $0x0;
	_ =	strace $0x90000047  }
0x13b: {  	s0 =	sadd.s32 @!p0 $0x100000, s0;
	[bflag:$0x2] =	sbarrier.arrive $0xFFFF  }
0x13c: {  	[sflag:s0] =	ssyncadd.tile.s32 @!p0 $0x1;
	_ =	shalt  }
.Lfunc_end2:
_tile_overlayer_lowered:
.L_overlay_start_2:
0x13d: {  	(tag) =	ssettag $0x2  }
0x13e: {  	s0 =	rddreg [dreg:$0x0];
	s2 =	stileid.u32  }
0x13f: {  	s1 =	rddreg [dreg:$0x1];
	p0 =	sne.s32 s2, $0x0  }
0x140: {  	s3 =	rddreg [dreg:$0x2];
	[bflag:$0x3] =	sbarrier.arrive $0xFFFF;
	s2 =	simm.s32 @!p0 $0x1C01  }
0x141: {  	[timem:s3], [sflag:s2] =	dma.local @!p0 [hbm:s0], s1  }
0x142: {  	s0 =	simm.s32 @!p0 $0x1  }
0x143: {  	_ =	swait.ge @!p0 [sflag:s0], s1  }
0x144: {  	s1 =	ssub.s32 @!p0 $0x0, s1;
	[sflag:s0] =	ssyncset.done @!p0 $0x0  }
0x145: {  	[sflag:s0] =	ssyncadd.s32 @!p0 s1  }
0x146: {  	[bflag:$0x3] =	sbarrier.arrive $0xFFFF  }
0x147: {  	_ =	shalt  }

</sc_bundles>
